<compile_context>
chip_gen: v7x
topology: tpu7x:2x2x1
jax: 0.10.2.dev20260603
libtpu: 0.0.44.dev20260713+nightly
codegen_flags: <defaults>
</compile_context>

<pallas_src>
import jax
import jax.numpy as jnp
from jax.experimental import pallas as pl
from jax.experimental.pallas import tpu as pltpu

N = 5000
C = 5
B = 1024
NP = 5120
T = NP // B
NMS_T = 0.3
SCORE_T = 0.05
DETS = 100


def _nms_kernel(sboxes_ref, sscores_ref, kept_ref, keep_scr):
    t = pl.program_id(1)
    colsl = pl.ds(t * B, B)
    bx1 = sboxes_ref[0, 0, colsl]
    by1 = sboxes_ref[0, 1, colsl]
    bx2 = sboxes_ref[0, 2, colsl]
    by2 = sboxes_ref[0, 3, colsl]
    ss = sscores_ref[0, 0, colsl]
    area_c = jnp.maximum(bx2 - bx1, 0.0) * jnp.maximum(by2 - by1, 0.0)

    def iou_rows(rx1, ry1, rx2, ry2):
        ra = jnp.maximum(rx2 - rx1, 0.0) * jnp.maximum(ry2 - ry1, 0.0)
        xx1 = jnp.maximum(rx1[:, None], bx1[None, :])
        yy1 = jnp.maximum(ry1[:, None], by1[None, :])
        xx2 = jnp.minimum(rx2[:, None], bx2[None, :])
        yy2 = jnp.minimum(ry2[:, None], by2[None, :])
        inter = jnp.maximum(xx2 - xx1, 0.0) * jnp.maximum(yy2 - yy1, 0.0)
        return inter / (ra[:, None] + area_c[None, :] - inter + 1e-9)

    def body(u, sup):
        rsl = pl.ds(u * B, B)
        iou = iou_rows(
            sboxes_ref[0, 0, rsl],
            sboxes_ref[0, 1, rsl],
            sboxes_ref[0, 2, rsl],
            sboxes_ref[0, 3, rsl],
        )
        keep_u = keep_scr[0, rsl]
        return sup + jnp.sum(
            jnp.where(iou > NMS_T, keep_u[:, None], 0.0), axis=0
        )

    sup = jax.lax.fori_loop(0, t, body, jnp.zeros((B,), jnp.float32))
    validf = ((ss > SCORE_T) & (sup == 0.0)).astype(jnp.float32)

    iou_tt = iou_rows(bx1, by1, bx2, by2)
    rowi = jax.lax.broadcasted_iota(jnp.int32, (B, B), 0)
    coli = jax.lax.broadcasted_iota(jnp.int32, (B, B), 1)
    supmat = ((iou_tt > NMS_T) & (rowi < coli)).astype(jnp.float32)

    def w_cond(carry):
        return jnp.logical_not(carry[1])

    def w_body(carry):
        x, _ = carry
        s = jnp.sum(supmat * x[:, None], axis=0)
        xn = validf * (s == 0.0).astype(jnp.float32)
        return xn, jnp.all(xn == x)

    x, _ = jax.lax.while_loop(w_cond, w_body, (validf, jnp.bool_(False)))
    keep_scr[0, colsl] = x
    kept_ref[0, 0, :] = ss * x


def _limit_kernel(kept_ref, sboxes_ref, out_ref):
    kept = kept_ref[...]

    def bits_f(b):
        return jax.lax.bitcast_convert_type(b, jnp.float32)

    def bis(i, lohi):
        lo, hi = lohi
        mid = (lo + hi) // 2
        cnt = jnp.sum((kept >= bits_f(mid)).astype(jnp.int32))
        ok = cnt >= DETS
        return jnp.where(ok, mid, lo), jnp.where(ok, hi, mid)

    lo, _ = jax.lax.fori_loop(
        0, 32, bis, (jnp.int32(0), jnp.int32(0x3F800001))
    )
    thresh = bits_f(lo)
    m = ((kept >= thresh) & (kept > 0.0)).astype(jnp.float32)
    out_ref[:, 0, :] = kept * m
    for k in range(4):
        out_ref[:, k + 1, :] = sboxes_ref[:, k, :] * m


def kernel(boxes, scores):
    fg = scores[:, 1:]
    order = jnp.argsort(-fg, axis=0).T
    ssorted = jnp.take_along_axis(fg.T, order, axis=1)
    bsorted = jnp.transpose(boxes[order], (0, 2, 1))
    ssorted = jnp.pad(ssorted, ((0, 0), (0, NP - N)))[:, None, :]
    bsorted = jnp.pad(bsorted, ((0, 0), (0, 0), (0, NP - N)))

    kept = pl.pallas_call(
        _nms_kernel,
        grid=(C, T),
        in_specs=[
            pl.BlockSpec((1, 4, NP), lambda c, t: (c, 0, 0)),
            pl.BlockSpec((1, 1, NP), lambda c, t: (c, 0, 0)),
        ],
        out_specs=pl.BlockSpec((1, 1, B), lambda c, t: (c, 0, t)),
        out_shape=jax.ShapeDtypeStruct((C, 1, NP), jnp.float32),
        scratch_shapes=[pltpu.VMEM((1, NP), jnp.float32)],
        compiler_params=pltpu.CompilerParams(
            dimension_semantics=("arbitrary", "arbitrary")
        ),
    )(bsorted, ssorted)

    outs = pl.pallas_call(
        _limit_kernel,
        in_specs=[
            pl.BlockSpec((C, NP), lambda: (0, 0)),
            pl.BlockSpec((C, 4, NP), lambda: (0, 0, 0)),
        ],
        out_specs=pl.BlockSpec((C, 5, NP), lambda: (0, 0, 0)),
        out_shape=jax.ShapeDtypeStruct((C, 5, NP), jnp.float32),
    )(kept[:, 0, :], bsorted)

    inv = jnp.argsort(order, axis=1)
    outs_t = jnp.transpose(outs, (0, 2, 1))
    return jnp.take_along_axis(outs_t, inv[:, :, None], axis=1)

# --- scband reference (transcript-rebuilt; emitter-appended) ---
"""Pipeline reference for scband-mask-rcnn-3564822856155 (READ-ONLY COPY).

The authoritative reference and input builder live on the scoring server;
editing this copy changes nothing except your own understanding.
"""

import jax, jax.numpy as jnp
import numpy as np

N = 5000
NUM_CLASSES = 6
NMS_THRESH = 0.3
SCORE_THRESH = 0.05
DETS_PER_IMG = 100


def setup_inputs(seed: int = 0):
    key = jax.random.key(seed)
    k1, k2, k3, k4 = jax.random.split(key, 4)
    cx = jax.random.uniform(k1, (N,)) * 960.0
    cy = jax.random.uniform(k2, (N,)) * 960.0
    wh = jax.random.uniform(k3, (N, 2)) * 64.0 + 4.0
    boxes = jnp.stack([cx, cy, cx + wh[:, 0], cy + wh[:, 1]], axis=1).astype(jnp.float32)
    scores = jax.random.uniform(k4, (N, NUM_CLASSES), dtype=jnp.float32)
    return {"boxes": boxes, "scores": scores}


def _pairwise_iou(b):
    x1, y1, x2, y2 = b[:, 0], b[:, 1], b[:, 2], b[:, 3]
    area = jnp.maximum(x2 - x1, 0.0) * jnp.maximum(y2 - y1, 0.0)
    xx1 = jnp.maximum(x1[:, None], x1[None, :])
    yy1 = jnp.maximum(y1[:, None], y1[None, :])
    xx2 = jnp.minimum(x2[:, None], x2[None, :])
    yy2 = jnp.minimum(y2[:, None], y2[None, :])
    inter = jnp.maximum(xx2 - xx1, 0.0) * jnp.maximum(yy2 - yy1, 0.0)
    return inter / (area[:, None] + area[None, :] - inter + 1e-9)


def _nms_class(boxes, sj):
    # sort by descending score (greedy NMS order)
    order = jnp.argsort(-sj)
    bs = boxes[order]
    ss = sj[order]
    iou = jax.lax.stop_gradient(_pairwise_iou(bs))
    valid = jax.lax.stop_gradient(ss) > SCORE_THRESH
    idx = jnp.arange(N)

    def body(i, keep):
        keep_i = keep[i] & valid[i]
        sup = (iou[i] > NMS_THRESH) & keep_i & (idx > i)
        return keep & (~sup)

    keep = jax.lax.fori_loop(0, N, body, valid)
    kept = ss * keep.astype(ss.dtype)
    # scatter kept scores back to original proposal order
    return jnp.zeros((N,), ss.dtype).at[order].set(kept)


def _forward(boxes, scores):
    # per-class NMS over foreground classes 1..5 (class 0 = background)
    per_class = jax.vmap(lambda sj: _nms_class(boxes, sj), in_axes=1, out_axes=0)(scores[:, 1:])  # [C-1, N]
    # limit to top DETS_PER_IMG detections across all classes (image_thresh)
    flat = per_class.reshape(-1)
    topv, _ = jax.lax.top_k(flat, DETS_PER_IMG)
    thresh = topv[DETS_PER_IMG - 1]
    limit_mask = (per_class >= thresh) & (per_class > 0.0)
    final_scores = per_class * limit_mask.astype(per_class.dtype)
    final_boxes = boxes[None, :, :] * limit_mask[:, :, None].astype(boxes.dtype)
    # [C-1, N, 5]: (score, x1, y1, x2, y2) per class, zeroed where suppressed
    return jnp.concatenate([final_scores[:, :, None], final_boxes], axis=2)


def reference(boxes, scores):
    return _forward(boxes, scores)

if __name__ == "__main__":
    import jax
    _d = setup_inputs()
    print(jax.jit(kernel)(*tuple(_d.values())))

</pallas_src>

<mosaic_0001>
module attributes {stable_mosaic.version = 14 : i64} {
  func.func @_nms_kernel(%arg0: i32, %arg1: i32, %arg2: memref<1x4x5120xf32, #tpu.memory_space<vmem>>, %arg3: memref<1x1x5120xf32, #tpu.memory_space<vmem>>, %arg4: memref<1x1x1024xf32, #tpu.memory_space<vmem>>, %arg5: memref<1x5120xf32, #tpu.memory_space<vmem>>) attributes {dimension_semantics = [#tpu.dimension_semantics<arbitrary>, #tpu.dimension_semantics<arbitrary>], iteration_bounds = array<i64: 5, 5>, scalar_prefetch = 0 : i64, scratch_operands = 1 : i64, tpu.core_type = #tpu.core_type<tc>, window_params = [{transform_indices = @transform_0, window_bounds = array<i64: 1, 4, 5120>}, {transform_indices = @transform_1, window_bounds = array<i64: 1, 1, 5120>}, {transform_indices = @transform_2, window_bounds = array<i64: 1, 1, 1024>}]} {
    %mul3A = arith.constant 1024 : i32
    %mul3A_0 = arith.muli %arg1, %mul3A : i32
    %get3A = arith.constant 0 : index
    %get3A_1 = arith.constant 0 : index
    %get3A_2 = arith.index_cast %mul3A_0 : i32 to index
    %get3A_3 = vector.load %arg2[%get3A, %get3A_1, %get3A_2] : memref<1x4x5120xf32, #tpu.memory_space<vmem>>, vector<1x1x1024xf32>
    %get3A_4 = vector.shape_cast %get3A_3 : vector<1x1x1024xf32> to vector<1024xf32>
    %get3A_5 = arith.constant 0 : index
    %get3A_6 = arith.constant 1 : index
    %get3A_7 = arith.index_cast %mul3A_0 : i32 to index
    %get3A_8 = vector.load %arg2[%get3A_5, %get3A_6, %get3A_7] : memref<1x4x5120xf32, #tpu.memory_space<vmem>>, vector<1x1x1024xf32>
    %get3A_9 = vector.shape_cast %get3A_8 : vector<1x1x1024xf32> to vector<1024xf32>
    %get3A_10 = arith.constant 0 : index
    %get3A_11 = arith.constant 2 : index
    %get3A_12 = arith.index_cast %mul3A_0 : i32 to index
    %get3A_13 = vector.load %arg2[%get3A_10, %get3A_11, %get3A_12] : memref<1x4x5120xf32, #tpu.memory_space<vmem>>, vector<1x1x1024xf32>
    %get3A_14 = vector.shape_cast %get3A_13 : vector<1x1x1024xf32> to vector<1024xf32>
    %get3A_15 = arith.constant 0 : index
    %get3A_16 = arith.constant 3 : index
    %get3A_17 = arith.index_cast %mul3A_0 : i32 to index
    %get3A_18 = vector.load %arg2[%get3A_15, %get3A_16, %get3A_17] : memref<1x4x5120xf32, #tpu.memory_space<vmem>>, vector<1x1x1024xf32>
    %get3A_19 = vector.shape_cast %get3A_18 : vector<1x1x1024xf32> to vector<1024xf32>
    %get3A_20 = arith.constant 0 : index
    %get3A_21 = arith.constant 0 : index
    %get3A_22 = arith.index_cast %mul3A_0 : i32 to index
    %get3A_23 = vector.load %arg3[%get3A_20, %get3A_21, %get3A_22] : memref<1x1x5120xf32, #tpu.memory_space<vmem>>, vector<1x1x1024xf32>
    %get3A_24 = vector.shape_cast %get3A_23 : vector<1x1x1024xf32> to vector<1024xf32>
    %sub3A = arith.subf %get3A_14, %get3A_4 : vector<1024xf32>
    %max3A = arith.constant 0.000000e+00 : f32
    %max3A_25 = vector.broadcast %max3A : f32 to vector<1024xf32>
    %max3A_26 = arith.maximumf %sub3A, %max3A_25 : vector<1024xf32>
    %sub3A_27 = arith.subf %get3A_19, %get3A_9 : vector<1024xf32>
    %max3A_28 = arith.constant 0.000000e+00 : f32
    %max3A_29 = vector.broadcast %max3A_28 : f32 to vector<1024xf32>
    %max3A_30 = arith.maximumf %sub3A_27, %max3A_29 : vector<1024xf32>
    %mul3A_31 = arith.mulf %max3A_26, %max3A_30 : vector<1024xf32>
    %broadcast_in_dim3A = arith.constant 0.000000e+00 : f32
    %broadcast_in_dim3A_32 = vector.broadcast %broadcast_in_dim3A : f32 to vector<1024xf32>
    %while3A = arith.constant 0 : i32
    %while3A_33 = arith.subi %arg1, %while3A : i32
    %while3A_34 = arith.addi %while3A, %while3A_33 : i32
    %while3A_35 = arith.constant 1 : i32
    %while3A_36 = arith.divsi %while3A_33, %while3A_35 : i32
    %while3A_37 = arith.muli %while3A_36, %while3A_35 : i32
    %while3A_38 = arith.addi %while3A, %while3A_37 : i32
    %while3A_39 = arith.constant 1 : i32
    %while3A_40 = scf.for %while3A_113 = %while3A to %while3A_38 step %while3A_39 iter_args(%while3A_114 = %broadcast_in_dim3A_32) -> (vector<1024xf32>)  : i32 {
      %mul3A_115 = arith.constant 1024 : i32
      %mul3A_116 = arith.muli %while3A_113, %mul3A_115 : i32
      %get3A_117 = arith.constant 0 : index
      %get3A_118 = arith.constant 0 : index
      %get3A_119 = arith.index_cast %mul3A_116 : i32 to index
      %get3A_120 = vector.load %arg2[%get3A_117, %get3A_118, %get3A_119] : memref<1x4x5120xf32, #tpu.memory_space<vmem>>, vector<1x1x1024xf32>
      %get3A_121 = vector.shape_cast %get3A_120 : vector<1x1x1024xf32> to vector<1024xf32>
      %get3A_122 = arith.constant 0 : index
      %get3A_123 = arith.constant 1 : index
      %get3A_124 = arith.index_cast %mul3A_116 : i32 to index
      %get3A_125 = vector.load %arg2[%get3A_122, %get3A_123, %get3A_124] : memref<1x4x5120xf32, #tpu.memory_space<vmem>>, vector<1x1x1024xf32>
      %get3A_126 = vector.shape_cast %get3A_125 : vector<1x1x1024xf32> to vector<1024xf32>
      %get3A_127 = arith.constant 0 : index
      %get3A_128 = arith.constant 2 : index
      %get3A_129 = arith.index_cast %mul3A_116 : i32 to index
      %get3A_130 = vector.load %arg2[%get3A_127, %get3A_128, %get3A_129] : memref<1x4x5120xf32, #tpu.memory_space<vmem>>, vector<1x1x1024xf32>
      %get3A_131 = vector.shape_cast %get3A_130 : vector<1x1x1024xf32> to vector<1024xf32>
      %get3A_132 = arith.constant 0 : index
      %get3A_133 = arith.constant 3 : index
      %get3A_134 = arith.index_cast %mul3A_116 : i32 to index
      %get3A_135 = vector.load %arg2[%get3A_132, %get3A_133, %get3A_134] : memref<1x4x5120xf32, #tpu.memory_space<vmem>>, vector<1x1x1024xf32>
      %get3A_136 = vector.shape_cast %get3A_135 : vector<1x1x1024xf32> to vector<1024xf32>
      %sub3A_137 = arith.subf %get3A_131, %get3A_121 : vector<1024xf32>
      %max3A_138 = arith.constant 0.000000e+00 : f32
      %max3A_139 = vector.broadcast %max3A_138 : f32 to vector<1024xf32>
      %max3A_140 = arith.maximumf %sub3A_137, %max3A_139 : vector<1024xf32>
      %sub3A_141 = arith.subf %get3A_136, %get3A_126 : vector<1024xf32>
      %max3A_142 = arith.constant 0.000000e+00 : f32
      %max3A_143 = vector.broadcast %max3A_142 : f32 to vector<1024xf32>
      %max3A_144 = arith.maximumf %sub3A_141, %max3A_143 : vector<1024xf32>
      %mul3A_145 = arith.mulf %max3A_140, %max3A_144 : vector<1024xf32>
      %broadcast_in_dim3A_146 = vector.shape_cast %get3A_121 : vector<1024xf32> to vector<1024x1xf32>
      %broadcast_in_dim3A_147 = vector.shape_cast %get3A_4 : vector<1024xf32> to vector<1x1024xf32>
      %max3A_148 = vector.broadcast %broadcast_in_dim3A_146 : vector<1024x1xf32> to vector<1024x1024xf32>
      %max3A_149 = vector.broadcast %broadcast_in_dim3A_147 : vector<1x1024xf32> to vector<1024x1024xf32>
      %max3A_150 = arith.maximumf %max3A_148, %max3A_149 : vector<1024x1024xf32>
      %broadcast_in_dim3A_151 = vector.shape_cast %get3A_126 : vector<1024xf32> to vector<1024x1xf32>
      %broadcast_in_dim3A_152 = vector.shape_cast %get3A_9 : vector<1024xf32> to vector<1x1024xf32>
      %max3A_153 = vector.broadcast %broadcast_in_dim3A_151 : vector<1024x1xf32> to vector<1024x1024xf32>
      %max3A_154 = vector.broadcast %broadcast_in_dim3A_152 : vector<1x1024xf32> to vector<1024x1024xf32>
      %max3A_155 = arith.maximumf %max3A_153, %max3A_154 : vector<1024x1024xf32>
      %broadcast_in_dim3A_156 = vector.shape_cast %get3A_131 : vector<1024xf32> to vector<1024x1xf32>
      %broadcast_in_dim3A_157 = vector.shape_cast %get3A_14 : vector<1024xf32> to vector<1x1024xf32>
      %min3A_158 = vector.broadcast %broadcast_in_dim3A_156 : vector<1024x1xf32> to vector<1024x1024xf32>
      %min3A_159 = vector.broadcast %broadcast_in_dim3A_157 : vector<1x1024xf32> to vector<1024x1024xf32>
      %min3A_160 = arith.minimumf %min3A_158, %min3A_159 : vector<1024x1024xf32>
      %broadcast_in_dim3A_161 = vector.shape_cast %get3A_136 : vector<1024xf32> to vector<1024x1xf32>
      %broadcast_in_dim3A_162 = vector.shape_cast %get3A_19 : vector<1024xf32> to vector<1x1024xf32>
      %min3A_163 = vector.broadcast %broadcast_in_dim3A_161 : vector<1024x1xf32> to vector<1024x1024xf32>
      %min3A_164 = vector.broadcast %broadcast_in_dim3A_162 : vector<1x1024xf32> to vector<1024x1024xf32>
      %min3A_165 = arith.minimumf %min3A_163, %min3A_164 : vector<1024x1024xf32>
      %sub3A_166 = arith.subf %min3A_160, %max3A_150 : vector<1024x1024xf32>
      %max3A_167 = arith.constant 0.000000e+00 : f32
      %max3A_168 = vector.broadcast %max3A_167 : f32 to vector<1024x1024xf32>
      %max3A_169 = arith.maximumf %sub3A_166, %max3A_168 : vector<1024x1024xf32>
      %sub3A_170 = arith.subf %min3A_165, %max3A_155 : vector<1024x1024xf32>
      %max3A_171 = arith.constant 0.000000e+00 : f32
      %max3A_172 = vector.broadcast %max3A_171 : f32 to vector<1024x1024xf32>
      %max3A_173 = arith.maximumf %sub3A_170, %max3A_172 : vector<1024x1024xf32>
      %mul3A_174 = arith.mulf %max3A_169, %max3A_173 : vector<1024x1024xf32>
      %broadcast_in_dim3A_175 = vector.shape_cast %mul3A_145 : vector<1024xf32> to vector<1024x1xf32>
      %broadcast_in_dim3A_176 = vector.shape_cast %mul3A_31 : vector<1024xf32> to vector<1x1024xf32>
      %add3A_177 = vector.broadcast %broadcast_in_dim3A_175 : vector<1024x1xf32> to vector<1024x1024xf32>
      %add3A_178 = vector.broadcast %broadcast_in_dim3A_176 : vector<1x1024xf32> to vector<1024x1024xf32>
      %add3A_179 = arith.addf %add3A_177, %add3A_178 : vector<1024x1024xf32>
      %sub3A_180 = arith.subf %add3A_179, %mul3A_174 : vector<1024x1024xf32>
      %add3A_181 = arith.constant 9.99999971E-10 : f32
      %add3A_182 = vector.broadcast %add3A_181 : f32 to vector<1024x1024xf32>
      %add3A_183 = arith.addf %sub3A_180, %add3A_182 : vector<1024x1024xf32>
      %div3A_184 = arith.divf %mul3A_174, %add3A_183 : vector<1024x1024xf32>
      %get3A_185 = arith.constant 0 : index
      %get3A_186 = arith.index_cast %mul3A_116 : i32 to index
      %get3A_187 = vector.load %arg5[%get3A_185, %get3A_186] : memref<1x5120xf32, #tpu.memory_space<vmem>>, vector<1x1024xf32>
      %get3A_188 = vector.shape_cast %get3A_187 : vector<1x1024xf32> to vector<1024xf32>
      %gt3A_189 = arith.constant 3.000000e-01 : f32
      %gt3A_190 = vector.broadcast %gt3A_189 : f32 to vector<1024x1024xf32>
      %gt3A_191 = arith.cmpf ogt, %div3A_184, %gt3A_190 : vector<1024x1024xf32>
      %broadcast_in_dim3A_192 = vector.shape_cast %get3A_188 : vector<1024xf32> to vector<1024x1xf32>
      %jit3A = arith.constant 0.000000e+00 : f32
      %broadcast_in_dim3A_193 = vector.shape_cast %broadcast_in_dim3A_192 : vector<1024x1xf32> to vector<1024x1xf32>
      %broadcast_in_dim3A_194 = vector.broadcast %broadcast_in_dim3A_193 : vector<1024x1xf32> to vector<1024x1024xf32>
      %broadcast_in_dim3A_195 = vector.broadcast %jit3A : f32 to vector<1024x1024xf32>
      %select_n3A = arith.select %gt3A_191, %broadcast_in_dim3A_194, %broadcast_in_dim3A_195 : vector<1024x1024xi1>, vector<1024x1024xf32>
      %reduce_sum3A = arith.constant dense<0.000000e+00> : vector<1024xf32>
      %reduce_sum3A_196 = vector.multi_reduction <add>, %select_n3A, %reduce_sum3A [0] : vector<1024x1024xf32> to vector<1024xf32>
      %add3A_197 = arith.addf %while3A_114, %reduce_sum3A_196 : vector<1024xf32>
      scf.yield %add3A_197 : vector<1024xf32>
    }
    %while3A_41 = arith.constant 1 : i32
    %while3A_42 = scf.for %while3A_113 = %while3A_38 to %while3A_34 step %while3A_41 iter_args(%while3A_114 = %while3A_40) -> (vector<1024xf32>)  : i32 {
      %mul3A_115 = arith.constant 1024 : i32
      %mul3A_116 = arith.muli %while3A_113, %mul3A_115 : i32
      %get3A_117 = arith.constant 0 : index
      %get3A_118 = arith.constant 0 : index
      %get3A_119 = arith.index_cast %mul3A_116 : i32 to index
      %get3A_120 = vector.load %arg2[%get3A_117, %get3A_118, %get3A_119] : memref<1x4x5120xf32, #tpu.memory_space<vmem>>, vector<1x1x1024xf32>
      %get3A_121 = vector.shape_cast %get3A_120 : vector<1x1x1024xf32> to vector<1024xf32>
      %get3A_122 = arith.constant 0 : index
      %get3A_123 = arith.constant 1 : index
      %get3A_124 = arith.index_cast %mul3A_116 : i32 to index
      %get3A_125 = vector.load %arg2[%get3A_122, %get3A_123, %get3A_124] : memref<1x4x5120xf32, #tpu.memory_space<vmem>>, vector<1x1x1024xf32>
      %get3A_126 = vector.shape_cast %get3A_125 : vector<1x1x1024xf32> to vector<1024xf32>
      %get3A_127 = arith.constant 0 : index
      %get3A_128 = arith.constant 2 : index
      %get3A_129 = arith.index_cast %mul3A_116 : i32 to index
      %get3A_130 = vector.load %arg2[%get3A_127, %get3A_128, %get3A_129] : memref<1x4x5120xf32, #tpu.memory_space<vmem>>, vector<1x1x1024xf32>
      %get3A_131 = vector.shape_cast %get3A_130 : vector<1x1x1024xf32> to vector<1024xf32>
      %get3A_132 = arith.constant 0 : index
      %get3A_133 = arith.constant 3 : index
      %get3A_134 = arith.index_cast %mul3A_116 : i32 to index
      %get3A_135 = vector.load %arg2[%get3A_132, %get3A_133, %get3A_134] : memref<1x4x5120xf32, #tpu.memory_space<vmem>>, vector<1x1x1024xf32>
      %get3A_136 = vector.shape_cast %get3A_135 : vector<1x1x1024xf32> to vector<1024xf32>
      %sub3A_137 = arith.subf %get3A_131, %get3A_121 : vector<1024xf32>
      %max3A_138 = arith.constant 0.000000e+00 : f32
      %max3A_139 = vector.broadcast %max3A_138 : f32 to vector<1024xf32>
      %max3A_140 = arith.maximumf %sub3A_137, %max3A_139 : vector<1024xf32>
      %sub3A_141 = arith.subf %get3A_136, %get3A_126 : vector<1024xf32>
      %max3A_142 = arith.constant 0.000000e+00 : f32
      %max3A_143 = vector.broadcast %max3A_142 : f32 to vector<1024xf32>
      %max3A_144 = arith.maximumf %sub3A_141, %max3A_143 : vector<1024xf32>
      %mul3A_145 = arith.mulf %max3A_140, %max3A_144 : vector<1024xf32>
      %broadcast_in_dim3A_146 = vector.shape_cast %get3A_121 : vector<1024xf32> to vector<1024x1xf32>
      %broadcast_in_dim3A_147 = vector.shape_cast %get3A_4 : vector<1024xf32> to vector<1x1024xf32>
      %max3A_148 = vector.broadcast %broadcast_in_dim3A_146 : vector<1024x1xf32> to vector<1024x1024xf32>
      %max3A_149 = vector.broadcast %broadcast_in_dim3A_147 : vector<1x1024xf32> to vector<1024x1024xf32>
      %max3A_150 = arith.maximumf %max3A_148, %max3A_149 : vector<1024x1024xf32>
      %broadcast_in_dim3A_151 = vector.shape_cast %get3A_126 : vector<1024xf32> to vector<1024x1xf32>
      %broadcast_in_dim3A_152 = vector.shape_cast %get3A_9 : vector<1024xf32> to vector<1x1024xf32>
      %max3A_153 = vector.broadcast %broadcast_in_dim3A_151 : vector<1024x1xf32> to vector<1024x1024xf32>
      %max3A_154 = vector.broadcast %broadcast_in_dim3A_152 : vector<1x1024xf32> to vector<1024x1024xf32>
      %max3A_155 = arith.maximumf %max3A_153, %max3A_154 : vector<1024x1024xf32>
      %broadcast_in_dim3A_156 = vector.shape_cast %get3A_131 : vector<1024xf32> to vector<1024x1xf32>
      %broadcast_in_dim3A_157 = vector.shape_cast %get3A_14 : vector<1024xf32> to vector<1x1024xf32>
      %min3A_158 = vector.broadcast %broadcast_in_dim3A_156 : vector<1024x1xf32> to vector<1024x1024xf32>
      %min3A_159 = vector.broadcast %broadcast_in_dim3A_157 : vector<1x1024xf32> to vector<1024x1024xf32>
      %min3A_160 = arith.minimumf %min3A_158, %min3A_159 : vector<1024x1024xf32>
      %broadcast_in_dim3A_161 = vector.shape_cast %get3A_136 : vector<1024xf32> to vector<1024x1xf32>
      %broadcast_in_dim3A_162 = vector.shape_cast %get3A_19 : vector<1024xf32> to vector<1x1024xf32>
      %min3A_163 = vector.broadcast %broadcast_in_dim3A_161 : vector<1024x1xf32> to vector<1024x1024xf32>
      %min3A_164 = vector.broadcast %broadcast_in_dim3A_162 : vector<1x1024xf32> to vector<1024x1024xf32>
      %min3A_165 = arith.minimumf %min3A_163, %min3A_164 : vector<1024x1024xf32>
      %sub3A_166 = arith.subf %min3A_160, %max3A_150 : vector<1024x1024xf32>
      %max3A_167 = arith.constant 0.000000e+00 : f32
      %max3A_168 = vector.broadcast %max3A_167 : f32 to vector<1024x1024xf32>
      %max3A_169 = arith.maximumf %sub3A_166, %max3A_168 : vector<1024x1024xf32>
      %sub3A_170 = arith.subf %min3A_165, %max3A_155 : vector<1024x1024xf32>
      %max3A_171 = arith.constant 0.000000e+00 : f32
      %max3A_172 = vector.broadcast %max3A_171 : f32 to vector<1024x1024xf32>
      %max3A_173 = arith.maximumf %sub3A_170, %max3A_172 : vector<1024x1024xf32>
      %mul3A_174 = arith.mulf %max3A_169, %max3A_173 : vector<1024x1024xf32>
      %broadcast_in_dim3A_175 = vector.shape_cast %mul3A_145 : vector<1024xf32> to vector<1024x1xf32>
      %broadcast_in_dim3A_176 = vector.shape_cast %mul3A_31 : vector<1024xf32> to vector<1x1024xf32>
      %add3A_177 = vector.broadcast %broadcast_in_dim3A_175 : vector<1024x1xf32> to vector<1024x1024xf32>
      %add3A_178 = vector.broadcast %broadcast_in_dim3A_176 : vector<1x1024xf32> to vector<1024x1024xf32>
      %add3A_179 = arith.addf %add3A_177, %add3A_178 : vector<1024x1024xf32>
      %sub3A_180 = arith.subf %add3A_179, %mul3A_174 : vector<1024x1024xf32>
      %add3A_181 = arith.constant 9.99999971E-10 : f32
      %add3A_182 = vector.broadcast %add3A_181 : f32 to vector<1024x1024xf32>
      %add3A_183 = arith.addf %sub3A_180, %add3A_182 : vector<1024x1024xf32>
      %div3A_184 = arith.divf %mul3A_174, %add3A_183 : vector<1024x1024xf32>
      %get3A_185 = arith.constant 0 : index
      %get3A_186 = arith.index_cast %mul3A_116 : i32 to index
      %get3A_187 = vector.load %arg5[%get3A_185, %get3A_186] : memref<1x5120xf32, #tpu.memory_space<vmem>>, vector<1x1024xf32>
      %get3A_188 = vector.shape_cast %get3A_187 : vector<1x1024xf32> to vector<1024xf32>
      %gt3A_189 = arith.constant 3.000000e-01 : f32
      %gt3A_190 = vector.broadcast %gt3A_189 : f32 to vector<1024x1024xf32>
      %gt3A_191 = arith.cmpf ogt, %div3A_184, %gt3A_190 : vector<1024x1024xf32>
      %broadcast_in_dim3A_192 = vector.shape_cast %get3A_188 : vector<1024xf32> to vector<1024x1xf32>
      %jit3A = arith.constant 0.000000e+00 : f32
      %broadcast_in_dim3A_193 = vector.shape_cast %broadcast_in_dim3A_192 : vector<1024x1xf32> to vector<1024x1xf32>
      %broadcast_in_dim3A_194 = vector.broadcast %broadcast_in_dim3A_193 : vector<1024x1xf32> to vector<1024x1024xf32>
      %broadcast_in_dim3A_195 = vector.broadcast %jit3A : f32 to vector<1024x1024xf32>
      %select_n3A = arith.select %gt3A_191, %broadcast_in_dim3A_194, %broadcast_in_dim3A_195 : vector<1024x1024xi1>, vector<1024x1024xf32>
      %reduce_sum3A = arith.constant dense<0.000000e+00> : vector<1024xf32>
      %reduce_sum3A_196 = vector.multi_reduction <add>, %select_n3A, %reduce_sum3A [0] : vector<1024x1024xf32> to vector<1024xf32>
      %add3A_197 = arith.addf %while3A_114, %reduce_sum3A_196 : vector<1024xf32>
      scf.yield %add3A_197 : vector<1024xf32>
    }
    %gt3A = arith.constant 5.000000e-02 : f32
    %gt3A_43 = vector.broadcast %gt3A : f32 to vector<1024xf32>
    %gt3A_44 = arith.cmpf ogt, %get3A_24, %gt3A_43 : vector<1024xf32>
    %eq3A = arith.constant 0.000000e+00 : f32
    %eq3A_45 = vector.broadcast %eq3A : f32 to vector<1024xf32>
    %eq3A_46 = arith.cmpf oeq, %while3A_42, %eq3A_45 : vector<1024xf32>
    %and3A = arith.andi %gt3A_44, %eq3A_46 : vector<1024xi1>
    %convert_element_type3A = arith.extui %and3A : vector<1024xi1> to vector<1024xi32>
    %convert_element_type3A_47 = arith.sitofp %convert_element_type3A : vector<1024xi32> to vector<1024xf32>
    %sub3A_48 = arith.subf %get3A_14, %get3A_4 : vector<1024xf32>
    %max3A_49 = arith.constant 0.000000e+00 : f32
    %max3A_50 = vector.broadcast %max3A_49 : f32 to vector<1024xf32>
    %max3A_51 = arith.maximumf %sub3A_48, %max3A_50 : vector<1024xf32>
    %sub3A_52 = arith.subf %get3A_19, %get3A_9 : vector<1024xf32>
    %max3A_53 = arith.constant 0.000000e+00 : f32
    %max3A_54 = vector.broadcast %max3A_53 : f32 to vector<1024xf32>
    %max3A_55 = arith.maximumf %sub3A_52, %max3A_54 : vector<1024xf32>
    %mul3A_56 = arith.mulf %max3A_51, %max3A_55 : vector<1024xf32>
    %broadcast_in_dim3A_57 = vector.shape_cast %get3A_4 : vector<1024xf32> to vector<1024x1xf32>
    %broadcast_in_dim3A_58 = vector.shape_cast %get3A_4 : vector<1024xf32> to vector<1x1024xf32>
    %max3A_59 = vector.broadcast %broadcast_in_dim3A_57 : vector<1024x1xf32> to vector<1024x1024xf32>
    %max3A_60 = vector.broadcast %broadcast_in_dim3A_58 : vector<1x1024xf32> to vector<1024x1024xf32>
    %max3A_61 = arith.maximumf %max3A_59, %max3A_60 : vector<1024x1024xf32>
    %broadcast_in_dim3A_62 = vector.shape_cast %get3A_9 : vector<1024xf32> to vector<1024x1xf32>
    %broadcast_in_dim3A_63 = vector.shape_cast %get3A_9 : vector<1024xf32> to vector<1x1024xf32>
    %max3A_64 = vector.broadcast %broadcast_in_dim3A_62 : vector<1024x1xf32> to vector<1024x1024xf32>
    %max3A_65 = vector.broadcast %broadcast_in_dim3A_63 : vector<1x1024xf32> to vector<1024x1024xf32>
    %max3A_66 = arith.maximumf %max3A_64, %max3A_65 : vector<1024x1024xf32>
    %broadcast_in_dim3A_67 = vector.shape_cast %get3A_14 : vector<1024xf32> to vector<1024x1xf32>
    %broadcast_in_dim3A_68 = vector.shape_cast %get3A_14 : vector<1024xf32> to vector<1x1024xf32>
    %min3A = vector.broadcast %broadcast_in_dim3A_67 : vector<1024x1xf32> to vector<1024x1024xf32>
    %min3A_69 = vector.broadcast %broadcast_in_dim3A_68 : vector<1x1024xf32> to vector<1024x1024xf32>
    %min3A_70 = arith.minimumf %min3A, %min3A_69 : vector<1024x1024xf32>
    %broadcast_in_dim3A_71 = vector.shape_cast %get3A_19 : vector<1024xf32> to vector<1024x1xf32>
    %broadcast_in_dim3A_72 = vector.shape_cast %get3A_19 : vector<1024xf32> to vector<1x1024xf32>
    %min3A_73 = vector.broadcast %broadcast_in_dim3A_71 : vector<1024x1xf32> to vector<1024x1024xf32>
    %min3A_74 = vector.broadcast %broadcast_in_dim3A_72 : vector<1x1024xf32> to vector<1024x1024xf32>
    %min3A_75 = arith.minimumf %min3A_73, %min3A_74 : vector<1024x1024xf32>
    %sub3A_76 = arith.subf %min3A_70, %max3A_61 : vector<1024x1024xf32>
    %max3A_77 = arith.constant 0.000000e+00 : f32
    %max3A_78 = vector.broadcast %max3A_77 : f32 to vector<1024x1024xf32>
    %max3A_79 = arith.maximumf %sub3A_76, %max3A_78 : vector<1024x1024xf32>
    %sub3A_80 = arith.subf %min3A_75, %max3A_66 : vector<1024x1024xf32>
    %max3A_81 = arith.constant 0.000000e+00 : f32
    %max3A_82 = vector.broadcast %max3A_81 : f32 to vector<1024x1024xf32>
    %max3A_83 = arith.maximumf %sub3A_80, %max3A_82 : vector<1024x1024xf32>
    %mul3A_84 = arith.mulf %max3A_79, %max3A_83 : vector<1024x1024xf32>
    %broadcast_in_dim3A_85 = vector.shape_cast %mul3A_56 : vector<1024xf32> to vector<1024x1xf32>
    %broadcast_in_dim3A_86 = vector.shape_cast %mul3A_31 : vector<1024xf32> to vector<1x1024xf32>
    %add3A = vector.broadcast %broadcast_in_dim3A_85 : vector<1024x1xf32> to vector<1024x1024xf32>
    %add3A_87 = vector.broadcast %broadcast_in_dim3A_86 : vector<1x1024xf32> to vector<1024x1024xf32>
    %add3A_88 = arith.addf %add3A, %add3A_87 : vector<1024x1024xf32>
    %sub3A_89 = arith.subf %add3A_88, %mul3A_84 : vector<1024x1024xf32>
    %add3A_90 = arith.constant 9.99999971E-10 : f32
    %add3A_91 = vector.broadcast %add3A_90 : f32 to vector<1024x1024xf32>
    %add3A_92 = arith.addf %sub3A_89, %add3A_91 : vector<1024x1024xf32>
    %div3A = arith.divf %mul3A_84, %add3A_92 : vector<1024x1024xf32>
    %iota3A = tpu.iota {dimensions = array<i32: 0>} : vector<1024x1024xi32>
    %iota3A_93 = tpu.iota {dimensions = array<i32: 1>} : vector<1024x1024xi32>
    %gt3A_94 = arith.constant 3.000000e-01 : f32
    %gt3A_95 = vector.broadcast %gt3A_94 : f32 to vector<1024x1024xf32>
    %gt3A_96 = arith.cmpf ogt, %div3A, %gt3A_95 : vector<1024x1024xf32>
    %lt3A = arith.cmpi slt, %iota3A, %iota3A_93 : vector<1024x1024xi32>
    %and3A_97 = arith.andi %gt3A_96, %lt3A : vector<1024x1024xi1>
    %convert_element_type3A_98 = arith.extui %and3A_97 : vector<1024x1024xi1> to vector<1024x1024xi32>
    %convert_element_type3A_99 = arith.sitofp %convert_element_type3A_98 : vector<1024x1024xi32> to vector<1024x1024xf32>
    %while3A_100 = arith.constant false
    %while3A_101:2 = scf.while (%while3A_113 = %convert_element_type3A_47, %while3A_114 = %while3A_100) : (vector<1024xf32>, i1) -> (vector<1024xf32>, i1) {
      %not3A = arith.constant true
      %not3A_115 = arith.xori %while3A_114, %not3A : i1
      scf.condition(%not3A_115) %while3A_113, %while3A_114 : vector<1024xf32>, i1
    } do {
    ^bb0(%while3A_113: vector<1024xf32>, %while3A_114: i1):
      %broadcast_in_dim3A_115 = vector.shape_cast %while3A_113 : vector<1024xf32> to vector<1024x1xf32>
      %mul3A_116 = vector.broadcast %broadcast_in_dim3A_115 : vector<1024x1xf32> to vector<1024x1024xf32>
      %mul3A_117 = arith.mulf %convert_element_type3A_99, %mul3A_116 : vector<1024x1024xf32>
      %reduce_sum3A = arith.constant dense<0.000000e+00> : vector<1024xf32>
      %reduce_sum3A_118 = vector.multi_reduction <add>, %mul3A_117, %reduce_sum3A [0] : vector<1024x1024xf32> to vector<1024xf32>
      %eq3A_119 = arith.constant 0.000000e+00 : f32
      %eq3A_120 = vector.broadcast %eq3A_119 : f32 to vector<1024xf32>
      %eq3A_121 = arith.cmpf oeq, %reduce_sum3A_118, %eq3A_120 : vector<1024xf32>
      %convert_element_type3A_122 = arith.extui %eq3A_121 : vector<1024xi1> to vector<1024xi32>
      %convert_element_type3A_123 = arith.sitofp %convert_element_type3A_122 : vector<1024xi32> to vector<1024xf32>
      %mul3A_124 = arith.mulf %convert_element_type3A_47, %convert_element_type3A_123 : vector<1024xf32>
      %eq3A_125 = arith.cmpf oeq, %mul3A_124, %while3A_113 : vector<1024xf32>
      %reduce_and3A = arith.constant 1.000000e+00 : f32
      %reduce_and3A_126 = arith.constant 0.000000e+00 : f32
      %reduce_and3A_127 = vector.broadcast %reduce_and3A : f32 to vector<1024xf32>
      %reduce_and3A_128 = vector.broadcast %reduce_and3A_126 : f32 to vector<1024xf32>
      %reduce_and3A_129 = arith.select %eq3A_125, %reduce_and3A_127, %reduce_and3A_128 : vector<1024xi1>, vector<1024xf32>
      %reduce_and3A_130 = vector.shape_cast %reduce_and3A_129 : vector<1024xf32> to vector<1x1024xf32>
      %reduce_and3A_131 = arith.constant dense<0x7F800000> : vector<1xf32>
      %reduce_and3A_132 = vector.multi_reduction <minimumf>, %reduce_and3A_130, %reduce_and3A_131 [1] : vector<1x1024xf32> to vector<1xf32>
      %reduce_and3A_133 = vector.shape_cast %reduce_and3A_132 : vector<1xf32> to vector<1x1xf32>
      %reduce_and3A_134 = vector.extract %reduce_and3A_133[0, 0] : f32 from vector<1x1xf32>
      %reduce_and3A_135 = arith.constant 0.000000e+00 : f32
      %reduce_and3A_136 = arith.cmpf ogt, %reduce_and3A_134, %reduce_and3A_135 : f32
      scf.yield %mul3A_124, %reduce_and3A_136 : vector<1024xf32>, i1
    }
    %swap3A = arith.constant 0 : index
    %swap3A_102 = arith.index_cast %mul3A_0 : i32 to index
    %swap3A_103 = vector.load %arg5[%swap3A, %swap3A_102] : memref<1x5120xf32, #tpu.memory_space<vmem>>, vector<1x1024xf32>
    %swap3A_104 = vector.shape_cast %swap3A_103 : vector<1x1024xf32> to vector<1024xf32>
    %swap3A_105 = vector.shape_cast %while3A_101#0 : vector<1024xf32> to vector<1x1024xf32>
    tpu.vector_store %arg5[%swap3A, %swap3A_102], %swap3A_105 {strides = array<i32>} : memref<1x5120xf32, #tpu.memory_space<vmem>>, vector<1x1024xf32>,
    %mul3A_106 = arith.mulf %get3A_24, %while3A_101#0 : vector<1024xf32>
    %swap3A_107 = arith.constant 0 : index
    %swap3A_108 = arith.constant 0 : index
    %swap3A_109 = arith.constant 0 : index
    %swap3A_110 = vector.load %arg4[%swap3A_107, %swap3A_108, %swap3A_109] : memref<1x1x1024xf32, #tpu.memory_space<vmem>>, vector<1x1x1024xf32>
    %swap3A_111 = vector.shape_cast %swap3A_110 : vector<1x1x1024xf32> to vector<1024xf32>
    %swap3A_112 = vector.shape_cast %mul3A_106 : vector<1024xf32> to vector<1x1x1024xf32>
    tpu.vector_store %arg4[%swap3A_107, %swap3A_108, %swap3A_109], %swap3A_112 {strides = array<i32>} : memref<1x1x1024xf32, #tpu.memory_space<vmem>>, vector<1x1x1024xf32>,
    return
  }
  func.func @transform_0(%arg0: i32, %arg1: i32) -> (i32, i32, i32) {
    %c0_i32 = arith.constant 0 : i32
    %c0_i32_0 = arith.constant 0 : i32
    %c0_i32_1 = arith.constant 0 : i32
    return %arg0, %c0_i32, %c0_i32_0 : i32, i32, i32
  }
  func.func @transform_1(%arg0: i32, %arg1: i32) -> (i32, i32, i32) {
    %c0_i32 = arith.constant 0 : i32
    %c0_i32_0 = arith.constant 0 : i32
    %c0_i32_1 = arith.constant 0 : i32
    return %arg0, %c0_i32, %c0_i32_0 : i32, i32, i32
  }
  func.func @transform_2(%arg0: i32, %arg1: i32) -> (i32, i32, i32) {
    %c0_i32 = arith.constant 0 : i32
    %c0_i32_0 = arith.constant 0 : i32
    return %arg0, %c0_i32, %arg1 : i32, i32, i32
  }
}

module attributes {stable_mosaic.version = 14 : i64} {
  func.func @_limit_kernel(%arg0: memref<5x5120xf32, #tpu.memory_space<vmem>>, %arg1: memref<5x4x5120xf32, #tpu.memory_space<vmem>>, %arg2: memref<5x5x5120xf32, #tpu.memory_space<vmem>>) attributes {dimension_semantics = [], scalar_prefetch = 0 : i64, scratch_operands = 0 : i64, tpu.core_type = #tpu.core_type<tc>} {
    %get3A = arith.constant 0 : index
    %get3A_0 = arith.constant 0 : index
    %get3A_1 = vector.load %arg0[%get3A, %get3A_0] : memref<5x5120xf32, #tpu.memory_space<vmem>>, vector<5x5120xf32>
    %scan3A = arith.constant 0 : i32
    %scan3A_2 = arith.constant 1065353217 : i32
    %scan3A_3 = arith.constant 0 : i32
    %scan3A_4 = arith.constant 32 : i32
    %scan3A_5 = arith.addi %scan3A_3, %scan3A_4 : i32
    %scan3A_6 = arith.constant 1 : i32
    %scan3A_7:2 = scf.for %scan3A_65 = %scan3A_3 to %scan3A_5 step %scan3A_6 iter_args(%scan3A_66 = %scan3A, %scan3A_67 = %scan3A_2) -> (i32, i32)  : i32 {
      %add3A = arith.addi %scan3A_66, %scan3A_67 : i32
      %jit3A = arith.constant 2 : i32
      %div3A = arith.divsi %add3A, %jit3A : i32
      %sign3A = arith.constant 0 : i32
      %sign3A_68 = arith.cmpi sgt, %add3A, %sign3A : i32
      %sign3A_69 = arith.extui %sign3A_68 : i1 to i32
      %sign3A_70 = arith.constant 0 : i32
      %sign3A_71 = arith.cmpi slt, %add3A, %sign3A_70 : i32
      %sign3A_72 = arith.extui %sign3A_71 : i1 to i32
      %sign3A_73 = arith.subi %sign3A_69, %sign3A_72 : i32
      %sign3A_74 = arith.constant 0 : i32
      %sign3A_75 = arith.cmpi sgt, %jit3A, %sign3A_74 : i32
      %sign3A_76 = arith.extui %sign3A_75 : i1 to i32
      %sign3A_77 = arith.constant 0 : i32
      %sign3A_78 = arith.cmpi slt, %jit3A, %sign3A_77 : i32
      %sign3A_79 = arith.extui %sign3A_78 : i1 to i32
      %sign3A_80 = arith.subi %sign3A_76, %sign3A_79 : i32
      %ne3A = arith.cmpi ne, %sign3A_73, %sign3A_80 : i32
      %rem3A = arith.remsi %add3A, %jit3A : i32
      %ne3A_81 = arith.constant 0 : i32
      %ne3A_82 = arith.cmpi ne, %rem3A, %ne3A_81 : i32
      %and3A_83 = arith.andi %ne3A, %ne3A_82 : i1
      %sub3A = arith.constant 1 : i32
      %sub3A_84 = arith.subi %div3A, %sub3A : i32
      %select_n3A = arith.select %and3A_83, %sub3A_84, %div3A : i32
      %bitcast_convert_type3A_85 = arith.bitcast %select_n3A : i32 to f32
      %ge3A_86 = vector.broadcast %bitcast_convert_type3A_85 : f32 to vector<5x5120xf32>
      %ge3A_87 = arith.cmpf oge, %get3A_1, %ge3A_86 : vector<5x5120xf32>
      %convert_element_type3A_88 = arith.extui %ge3A_87 : vector<5x5120xi1> to vector<5x5120xi32>
      %reduce_sum3A = vector.shape_cast %convert_element_type3A_88 : vector<5x5120xi32> to vector<1x5x5120xi32>
      %reduce_sum3A_89 = arith.constant dense<0> : vector<1xi32>
      %reduce_sum3A_90 = vector.multi_reduction <add>, %reduce_sum3A, %reduce_sum3A_89 [1, 2] : vector<1x5x5120xi32> to vector<1xi32>
      %reduce_sum3A_91 = vector.shape_cast %reduce_sum3A_90 : vector<1xi32> to vector<1x1x1xi32>
      %reduce_sum3A_92 = vector.extract %reduce_sum3A_91[0, 0, 0] : i32 from vector<1x1x1xi32>
      %ge3A_93 = arith.constant 100 : i32
      %ge3A_94 = arith.cmpi sge, %reduce_sum3A_92, %ge3A_93 : i32
      %select_n3A_95 = arith.select %ge3A_94, %select_n3A, %scan3A_66 : i32
      %select_n3A_96 = arith.select %ge3A_94, %scan3A_67, %select_n3A : i32
      scf.yield %select_n3A_95, %select_n3A_96 : i32, i32
    }
    %bitcast_convert_type3A = arith.bitcast %scan3A_7#0 : i32 to f32
    %ge3A = vector.broadcast %bitcast_convert_type3A : f32 to vector<5x5120xf32>
    %ge3A_8 = arith.cmpf oge, %get3A_1, %ge3A : vector<5x5120xf32>
    %gt3A = arith.constant 0.000000e+00 : f32
    %gt3A_9 = vector.broadcast %gt3A : f32 to vector<5x5120xf32>
    %gt3A_10 = arith.cmpf ogt, %get3A_1, %gt3A_9 : vector<5x5120xf32>
    %and3A = arith.andi %ge3A_8, %gt3A_10 : vector<5x5120xi1>
    %convert_element_type3A = arith.extui %and3A : vector<5x5120xi1> to vector<5x5120xi32>
    %convert_element_type3A_11 = arith.sitofp %convert_element_type3A : vector<5x5120xi32> to vector<5x5120xf32>
    %mul3A = arith.mulf %get3A_1, %convert_element_type3A_11 : vector<5x5120xf32>
    %swap3A = arith.constant 0 : index
    %swap3A_12 = arith.constant 0 : index
    %swap3A_13 = arith.constant 0 : index
    %swap3A_14 = vector.load %arg2[%swap3A, %swap3A_12, %swap3A_13] : memref<5x5x5120xf32, #tpu.memory_space<vmem>>, vector<5x1x5120xf32>
    %swap3A_15 = vector.shape_cast %swap3A_14 : vector<5x1x5120xf32> to vector<5x5120xf32>
    %swap3A_16 = vector.shape_cast %mul3A : vector<5x5120xf32> to vector<5x1x5120xf32>
    tpu.vector_store %arg2[%swap3A, %swap3A_12, %swap3A_13], %swap3A_16 {strides = array<i32>} : memref<5x5x5120xf32, #tpu.memory_space<vmem>>, vector<5x1x5120xf32>,
    %get3A_17 = arith.constant 0 : index
    %get3A_18 = arith.constant 0 : index
    %get3A_19 = arith.constant 0 : index
    %get3A_20 = vector.load %arg1[%get3A_17, %get3A_18, %get3A_19] : memref<5x4x5120xf32, #tpu.memory_space<vmem>>, vector<5x1x5120xf32>
    %get3A_21 = vector.shape_cast %get3A_20 : vector<5x1x5120xf32> to vector<5x5120xf32>
    %mul3A_22 = arith.mulf %get3A_21, %convert_element_type3A_11 : vector<5x5120xf32>
    %swap3A_23 = arith.constant 0 : index
    %swap3A_24 = arith.constant 1 : index
    %swap3A_25 = arith.constant 0 : index
    %swap3A_26 = vector.load %arg2[%swap3A_23, %swap3A_24, %swap3A_25] : memref<5x5x5120xf32, #tpu.memory_space<vmem>>, vector<5x1x5120xf32>
    %swap3A_27 = vector.shape_cast %swap3A_26 : vector<5x1x5120xf32> to vector<5x5120xf32>
    %swap3A_28 = vector.shape_cast %mul3A_22 : vector<5x5120xf32> to vector<5x1x5120xf32>
    tpu.vector_store %arg2[%swap3A_23, %swap3A_24, %swap3A_25], %swap3A_28 {strides = array<i32>} : memref<5x5x5120xf32, #tpu.memory_space<vmem>>, vector<5x1x5120xf32>,
    %get3A_29 = arith.constant 0 : index
    %get3A_30 = arith.constant 1 : index
    %get3A_31 = arith.constant 0 : index
    %get3A_32 = vector.load %arg1[%get3A_29, %get3A_30, %get3A_31] : memref<5x4x5120xf32, #tpu.memory_space<vmem>>, vector<5x1x5120xf32>
    %get3A_33 = vector.shape_cast %get3A_32 : vector<5x1x5120xf32> to vector<5x5120xf32>
    %mul3A_34 = arith.mulf %get3A_33, %convert_element_type3A_11 : vector<5x5120xf32>
    %swap3A_35 = arith.constant 0 : index
    %swap3A_36 = arith.constant 2 : index
    %swap3A_37 = arith.constant 0 : index
    %swap3A_38 = vector.load %arg2[%swap3A_35, %swap3A_36, %swap3A_37] : memref<5x5x5120xf32, #tpu.memory_space<vmem>>, vector<5x1x5120xf32>
    %swap3A_39 = vector.shape_cast %swap3A_38 : vector<5x1x5120xf32> to vector<5x5120xf32>
    %swap3A_40 = vector.shape_cast %mul3A_34 : vector<5x5120xf32> to vector<5x1x5120xf32>
    tpu.vector_store %arg2[%swap3A_35, %swap3A_36, %swap3A_37], %swap3A_40 {strides = array<i32>} : memref<5x5x5120xf32, #tpu.memory_space<vmem>>, vector<5x1x5120xf32>,
    %get3A_41 = arith.constant 0 : index
    %get3A_42 = arith.constant 2 : index
    %get3A_43 = arith.constant 0 : index
    %get3A_44 = vector.load %arg1[%get3A_41, %get3A_42, %get3A_43] : memref<5x4x5120xf32, #tpu.memory_space<vmem>>, vector<5x1x5120xf32>
    %get3A_45 = vector.shape_cast %get3A_44 : vector<5x1x5120xf32> to vector<5x5120xf32>
    %mul3A_46 = arith.mulf %get3A_45, %convert_element_type3A_11 : vector<5x5120xf32>
    %swap3A_47 = arith.constant 0 : index
    %swap3A_48 = arith.constant 3 : index
    %swap3A_49 = arith.constant 0 : index
    %swap3A_50 = vector.load %arg2[%swap3A_47, %swap3A_48, %swap3A_49] : memref<5x5x5120xf32, #tpu.memory_space<vmem>>, vector<5x1x5120xf32>
    %swap3A_51 = vector.shape_cast %swap3A_50 : vector<5x1x5120xf32> to vector<5x5120xf32>
    %swap3A_52 = vector.shape_cast %mul3A_46 : vector<5x5120xf32> to vector<5x1x5120xf32>
    tpu.vector_store %arg2[%swap3A_47, %swap3A_48, %swap3A_49], %swap3A_52 {strides = array<i32>} : memref<5x5x5120xf32, #tpu.memory_space<vmem>>, vector<5x1x5120xf32>,
    %get3A_53 = arith.constant 0 : index
    %get3A_54 = arith.constant 3 : index
    %get3A_55 = arith.constant 0 : index
    %get3A_56 = vector.load %arg1[%get3A_53, %get3A_54, %get3A_55] : memref<5x4x5120xf32, #tpu.memory_space<vmem>>, vector<5x1x5120xf32>
    %get3A_57 = vector.shape_cast %get3A_56 : vector<5x1x5120xf32> to vector<5x5120xf32>
    %mul3A_58 = arith.mulf %get3A_57, %convert_element_type3A_11 : vector<5x5120xf32>
    %swap3A_59 = arith.constant 0 : index
    %swap3A_60 = arith.constant 4 : index
    %swap3A_61 = arith.constant 0 : index
    %swap3A_62 = vector.load %arg2[%swap3A_59, %swap3A_60, %swap3A_61] : memref<5x5x5120xf32, #tpu.memory_space<vmem>>, vector<5x1x5120xf32>
    %swap3A_63 = vector.shape_cast %swap3A_62 : vector<5x1x5120xf32> to vector<5x5120xf32>
    %swap3A_64 = vector.shape_cast %mul3A_58 : vector<5x5120xf32> to vector<5x1x5120xf32>
    tpu.vector_store %arg2[%swap3A_59, %swap3A_60, %swap3A_61], %swap3A_64 {strides = array<i32>} : memref<5x5x5120xf32, #tpu.memory_space<vmem>>, vector<5x1x5120xf32>,
    return
  }
}

</mosaic_0001>

<sc_bundles>
// kernel: gather_offload_async_start.1
scs
__scs_entry_jumppad:
0x0: {  	(pc) =	sbr.rel $0x88, $3  }
0x1: {  	(tag) =	ssettag $0x0;
	lr =	simm.s32 $0x1  }
0x2: {  	[smem:$0x3F9F] =	sst lr;
	_ =	strace $0xD0000000  }
0x3: {  	_ = 	snop  }
0x4: {  	_ = 	snop  }
0x5: {  	_ = 	snop  }
0x6: {  	_ = 	snop  }
0x7: {  	_ = 	snop  }
__scs_overlays_trampoline_lowered:
0x8: {  	[smem:$0x3FAE] =	sst s0  }
0x9: {  	[smem:$0x3FAF] =	sst s1  }
0xa: {  	[smem:$0x3FB0] =	sst s2  }
0xb: {  	[smem:$0x3FB1] =	sst s3  }
0xc: {  	[smem:$0x3FB2] =	sst s4  }
0xd: {  	[smem:$0x3FB3] =	sst s5  }
0xe: {  	[smem:$0x3FB4] =	sst s6  }
0xf: {  	[smem:$0x3FB5] =	sst s7  }
0x10: {  	[smem:$0x3FB6] =	sst s8  }
0x11: {  	[smem:$0x3FB7] =	sst s9;
	s0 =	simm.s32 @!p0 $0x0  }
0x12: {  	s1 =	sld [smem:$0x3F9D];
	s0 =	simm.s32 @p0 $0x1  }
0x13: {  	[smem:$0x3FB8] =	sst s0;
	s0 =	simm.s32 @!p1 $0x0  }
0x14: {  	s2 =	sld [smem:$0x3F9C];
	s0 =	simm.s32 @p1 $0x1  }
0x15: {  	[smem:$0x3FB9] =	sst s0;
	s0 =	simm.s32 @!p2 $0x0  }
0x16: {  	s3 =	sld [smem:$0x3FDB];
	s0 =	simm.s32 @p2 $0x1  }
0x17: {  	s4 =	simm.s32 $0x1BF5;
	[smem:$0x3FBB] =	sst s0  }
0x18: {  	s0 =	sld [smem:$0x3F9E];
	_ =	swait.ge [sflag:s4], $0x0  }
0x19: {  	s7 =	sld [smem:$0x3F9F]  }
0x1a: {  	s8 =	sadd.s32 $0xFFFFE003, lr  }
0x1b: {  	s9 =	sadd.s32 $0xFFFFFEF7, lr;
	s5 =	simm.s32 $0xFFFFFFFF;
	p2 =	slt.u32 s8, $0xFFFFF086  }
0x1c: {  	p1 =	slt.u32 s9, $0xF7A;
	s5 =	simm.s32 @!p2 $0x0  }
0x1d: {  	s5 =	simm.s32 @p1 $0x1;
	p0 =	seq.s32 s7, s2  }
0x1e: {  	s7 =	smul.u32 @!p0 $0xF7A, s2;
	p2 =	seq.s32 @!p0 s5, $0x0  }
0x1f: {  	s9 =	smul.u32 $0xF7A, s1;
	s8 =	simm.s32 @!p0 $0x1BF5;
	p2 =	por !p2, p0  }
0x20: {  	[sflag:s8] =	ssyncset.s32 @!p0 $0xFFFFF086;
	s6 =	sadd.s32 @!p0 s3, s7;
	s7 =	simm.s32 @!p0 $0x108  }
0x21: {  	s3 =	sadd.s32 s3, s9;
	s6 =	sadd.s32 @!p0 $0x88, s6;
	s7 =	simm.s32 @p2 $0x1082  }
0x22: {  	[simem:s7], [sflag:s8] =	dma.local @!p0 [hbm:s6], $0xF7A  }
0x23: {  	s9 =	sor.u32 $0xD0000000, s2;
	s6 =	simm.s32 $0x108;
	_ =	swait.ge @!p0 [sflag:s8], $0x0  }
0x24: {  	s3 =	sadd.s32 $0x88, s3;
	s6 =	simm.s32 @!p1 $0x1082;
	[sflag:s4] =	ssyncset.s32 $0xFFFFF086  }
0x25: {  	[simem:s6], [sflag:s4] =	dma.local [hbm:s3], $0xF7A  }
0x26: {  	[smem:$0x3F9F] =	sst s1;
	(tag) =	ssettag s2;
	_ =	strace s9  }
0x27: {  	s1 =	sld [smem:$0x3FAF]  }
0x28: {  	s2 =	sld [smem:$0x3FB0]  }
0x29: {  	s4 =	sld [smem:$0x3FB2]  }
0x2a: {  	p0 =	seq.s32 s5, $0x0;
	s5 =	sld [smem:$0x3FB3]  }
0x2b: {  	s6 =	sld [smem:$0x3FB4]  }
0x2c: {  	s7 =	sld [smem:$0x3FB5]  }
0x2d: {  	s3 =	simm.s32 $0x108;
	s8 =	sld [smem:$0x3FB6]  }
0x2e: {  	s3 =	simm.s32 @!p0 $0x1082;
	s9 =	sld [smem:$0x3FB7]  }
0x2f: {  	lr =	sadd.s32 s0, s3;
	s0 =	sld [smem:$0x3FAE]  }
0x30: {  	s3 =	sld [smem:$0x3FB1]  }
0x31: {  	[smem:$0x3FBA] =	sst s10  }
0x32: {  	s10 =	sld [smem:$0x3FB8];
	_ =	sdelay $0x3  }
0x33: {  	p0 =	seq.s32 s10, $0x1;
	s10 =	sld [smem:$0x3FBA];
	_ =	sdelay $0x3  }
0x34: {  	[smem:$0x3FBA] =	sst s10  }
0x35: {  	s10 =	sld [smem:$0x3FB9];
	_ =	sdelay $0x3  }
0x36: {  	p1 =	seq.s32 s10, $0x1;
	s10 =	sld [smem:$0x3FBA];
	_ =	sdelay $0x3  }
0x37: {  	[smem:$0x3FBA] =	sst s10  }
0x38: {  	s10 =	sld [smem:$0x3FBB]  }
0x39: {  	_ = 	snop;
	(pc) =	sbr.ind lr, $3  }
0x3a: {  	_ = 	snop  }
0x3b: {  	_ = 	snop  }
0x3c: {  	p2 =	seq.s32 s10, $0x1;
	s10 =	sld [smem:$0x3FBA]  }
0x3d: {  	_ =	shalt  }
0x3e: {  	_ =	shalt  }
0x3f: {  	_ =	shalt  }
0x40: {  	_ =	shalt  }
0x41: {  	_ =	shalt  }
0x42: {  	_ =	shalt  }
0x43: {  	_ =	shalt  }
0x44: {  	_ =	shalt  }
0x45: {  	_ =	shalt  }
0x46: {  	_ =	shalt  }
0x47: {  	_ =	shalt  }
0x48: {  	_ =	shalt  }
0x49: {  	_ =	shalt  }
0x4a: {  	_ =	shalt  }
0x4b: {  	_ =	shalt  }
0x4c: {  	_ =	shalt  }
0x4d: {  	_ =	shalt  }
0x4e: {  	_ =	shalt  }
0x4f: {  	_ =	shalt  }
0x50: {  	_ =	shalt  }
0x51: {  	_ =	shalt  }
0x52: {  	_ =	shalt  }
0x53: {  	_ =	shalt  }
0x54: {  	_ =	shalt  }
0x55: {  	_ =	shalt  }
0x56: {  	_ =	shalt  }
0x57: {  	_ =	shalt  }
0x58: {  	_ =	shalt  }
0x59: {  	_ =	shalt  }
0x5a: {  	_ =	shalt  }
0x5b: {  	_ =	shalt  }
0x5c: {  	_ =	shalt  }
0x5d: {  	_ =	shalt  }
0x5e: {  	_ =	shalt  }
0x5f: {  	_ =	shalt  }
0x60: {  	_ =	shalt  }
0x61: {  	_ =	shalt  }
0x62: {  	_ =	shalt  }
0x63: {  	_ =	shalt  }
0x64: {  	_ =	shalt  }
0x65: {  	_ =	shalt  }
0x66: {  	_ =	shalt  }
0x67: {  	_ =	shalt  }
0x68: {  	_ =	shalt  }
0x69: {  	_ =	shalt  }
0x6a: {  	_ =	shalt  }
0x6b: {  	_ =	shalt  }
0x6c: {  	_ =	shalt  }
0x6d: {  	_ =	shalt  }
0x6e: {  	_ =	shalt  }
0x6f: {  	_ =	shalt  }
0x70: {  	_ =	shalt  }
0x71: {  	_ =	shalt  }
0x72: {  	_ =	shalt  }
0x73: {  	_ =	shalt  }
0x74: {  	_ =	shalt  }
0x75: {  	_ =	shalt  }
0x76: {  	_ =	shalt  }
0x77: {  	_ =	shalt  }
0x78: {  	_ =	shalt  }
0x79: {  	_ =	shalt  }
0x7a: {  	_ =	shalt  }
0x7b: {  	_ =	shalt  }
0x7c: {  	_ =	shalt  }
0x7d: {  	_ =	shalt  }
0x7e: {  	_ =	shalt  }
0x7f: {  	_ =	shalt  }
0x80: {  	_ =	shalt  }
0x81: {  	_ =	shalt  }
0x82: {  	_ =	shalt  }
0x83: {  	_ =	shalt  }
0x84: {  	_ =	shalt  }
0x85: {  	_ =	shalt  }
0x86: {  	_ =	shalt  }
0x87: {  	_ =	shalt  }
.Lfunc_end0:
.L_simem_size_0:
called_computation.1_lowered:
.L_overlay_start_0:
0x88: {  	s0 =	sld [smem:$0x3FD9]  }
0x89: {  	s1 =	sld [smem:$0x3FFE];
	_ =	sdelay $0x3  }
0x8a: {  	s0 =	sadd.s32 s1, s0  }
0x8b: {  	[smem:$0x3FC6] =	sst s0  }
0x8c: {  	_ = 	snop  }
0x8d: {  	(tm) =	ssettm $0x1  }
0x8e: {  	s15 =	sld [smem:$0x3FFB];
	_ =	sdelay $0x3  }
0x8f: {  	_ =	strace s15  }
0x90: {  	s0 =	sld [smem:$0x3FFC];
	_ =	sdelay $0x3  }
0x91: {  	_ =	strace s0  }
0x92: {  	s0 =	sld [smem:$0x3FFD];
	_ =	sdelay $0x3  }
0x93: {  	_ =	strace s0  }
0x94: {  	_ =	strace $0x8FFFFFFF  }
0x95: {  	s16 =	sld [smem:$0x3FDB];
	_ =	sdelay $0x1  }
0x96: {  	s17 =	simm.s32 $_scs_section_size  }
0x97: {  	s2 =	simm.s32 $_size__tile_overlayer_lowered;
	s3 =	simm.s32 $_tile_overlayer_lowered  }
0x98: {  	s20 =	simm.s32 $0x1BFF;
	s19 =	sshll.u32 s3, $0x1;
	s0 =	sadd.s32 s17, s16  }
0x99: {  	s4 =	simm.s32 $0x0;
	s18 =	sshll.u32 s2, $0x1;
	s2 =	sadd.s32 s19, s0  }
0x9a: {  	[timem:s4], [sflag:s20] =	dma.local [hbm:s2], s18  }
0x9b: {  	_ =	swait.ge [sflag:s20], s18  }
0x9c: {  	s1 =	ssub.s32 $0x0, s18;
	[sflag:s20] =	ssyncset.done $0x0  }
0x9d: {  	[sflag:s20] =	ssyncadd.s32 s1;
	_ =	sdelay $0x1  }
0x9e: {  	s21 =	simm.s32 $0x1B8B  }
0x9f: {  	_ =	swait.ge [sflag:s21], $0x1  }
0xa0: {  	[sflag:s21] =	ssyncset.done $0x0  }
0xa1: {  	s23 =	simm.s32 $0x1B8E;
	s22 =	sld [smem:$0x3FFE];
	[sflag:s21] =	ssyncadd.s32 $0xFFFFFFFF  }
0xa2: {  	s24 =	simm.s32 $execute0_lowered;
	[smem:$0x3FD2] =	sst s23  }
0xa3: {  	s2 =	sshll.u32 s24, $0x1;
	_ =	strace $0x80000049;
	[dreg:$0x1] =	wrdreg $0xFFFFFFFF  }
0xa4: {  	s25 =	simm.s32 $_size_execute0_lowered;
	s0 =	sadd.s32 s0, s2;
	[dreg:$0x0] =	wrdreg $0x0  }
0xa5: {  	s2 =	sshll.u32 s25, $0x1;
	[dreg:$0x2] =	wrdreg s0  }
0xa6: {  	[dreg:$0x3] =	wrdreg s2  }
0xa7: {  	[dreg:$0x4] =	wrdreg $0xC0  }
0xa8: {  	_ =	task [dreg:s4], $0x5FFFF  }
0xa9: {  	[dreg:$0x1] =	wrdreg $0xFFFFFFFF  }
0xaa: {  	[dreg:$0x0] =	wrdreg $0x60  }
0xab: {  	[dreg:$0x2] =	wrdreg s22  }
0xac: {  	[dreg:$0x3] =	wrdreg $0x9  }
0xad: {  	_ =	task.clear_ibuf [dreg:s4], $0x4FFFF;
	_ =	strace $0x90000049  }
0xae: {  	s26 =	simm.s32 $0x9;
	_ =	strace $0x8000004B  }
0xaf: {  	_ =	swait.ge [sflag:s26], $0x1  }
0xb0: {  	[sflag:s26] =	ssyncadd.s32 $0xFFFFFFFF  }
0xb1: {  	_ =	strace $0x9000004B  }
0xb2: {  	_ =	sfence  }
0xb3: {  	s28 =	sld [smem:$0x0];
	_ =	sdelay $0x1  }
0xb4: {  	s29 =	srdreg.scid  }
0xb5: {  	s30 =	sshll.u32 s29, $0xD;
	s31 =	sshrl.u32 s29, $0x2  }
0xb6: {  	s1 =	sand.u32 $0x1, s29;
	s2 =	sand.u32 $0x4000, s30;
	s0 =	sadd.s32 s31, s28  }
0xb7: {  	s1 =	sor.u32 s2, s1;
	s0 =	sshll.u32 s0, $0x11  }
0xb8: {  	s0 =	sor.u32 s0, s1  }
0xb9: {  	s0 =	sadd.s32 $0x8F2B, s0  }
0xba: {  	[sflag:s0] =	ssyncadd.remote.s32 $0x1  }
0xbb: {  	_ =	sfence.sel $0xFFFF  }
0xbc: {  	[dreg:$0x0] =	wrdreg $0xFFFFFFFF;
	(pc) =	sbr.abs _section_cstart, $3  }
0xbd: {  	[dreg:$0x1] =	wrdreg $0xFFFFFFFF  }
0xbe: {  	_ =	task.clear_ibuf [dreg:s4], $0x2FFFF;
	_ =	strace $0x9FFFFFFF  }
0xbf: {  	(tm) =	ssettm $0x7FFFFFFF  }
tec
execute0_lowered:
.L_overlay_start_1:
0x0: {  	(tag) =	ssettag $0x1  }
0x1: {  	s0 =	stileid.u32  }
0x2: {  	s1 =	smul.u32 $0x7, s0  }
0x3: {  	s2 =	smin.u32 s0, $0xD  }
0x4: {  	s1 =	sadd.s32 s2, s1  }
0x5: {  	p0 =	slt.u32 s0, $0xD;
	s2 =	simm.s32 $0x640;
	s1 =	smul.u32 $0xC8, s1  }
0x6: {  	s2 =	simm.s32 @!p0 $0x578  }
0x7: {  	s2 =	sadd.s32 s2, s1  }
0x8: {  	s3 =	smin.u32 s2, $0x61A8  }
0x9: {  	s7 =	ssub.s32 s3, s1  }
0xa: {  	p0 =	sgt.s32 s7, $0x0  }
0xb: {  	s7 =	simm.s32 @!p0 $0x0  }
0xc: {  	s31 =	sand.u32 $0xFFF8, s7  }
0xd: {  	s2 =	sshrl.u32 s31, $0x3  }
0xe: {  	s2 =	smul.u32 $0x147B, s2  }
0xf: {  	s9 =	rddreg [dreg:$0x0];
	s6 =	simm.s32 $0x1;
	s11 =	simm.s32 $0x3  }
0x10: {  	s13 =	simm.s32 $0x0;
	s12 =	simm.s32 $0x0;
	s8 =	sshrl.u32 s2, $0x11  }
0x11: {  	s4 =	sadd.s32 $0x5800, s9;
	s5 =	sadd.s32 $0x4A00, s9;
	s10 =	smul.u32 $0xC8, s8  }
.Ltmp0:
0x12: {  	s9 =	sadd.s32 $0x69800, s9;
	s2 =	rddreg [dreg:$0x1];
	(pc) =	sbr.rel .LBB2_1-.Ltmp0, $4  }
0x13: {  	_ =	strace $0x8000004A;
	p0 =	sne.s32 s7, s10;
	s10 =	simm.s32 $0x1  }
0x14: {  	[sflag:s6] =	ssyncpa.u1 $0x0;
	s7 =	simm.s32 $0x2;
	s10 =	simm.s32 @!p0 $0x0  }
0x15: {  	[sflag:s7] =	ssyncpa.u1 $0x0;
	p0 =	por $0x0, $0x0;
	s8 =	sadd.s32 s8, s10  }
0x16: {  	vm0 =	vmmov $0xff;
	vm1 =	vcmask $0x3F20;
	[sflag:s11] =	ssyncpa.u1 $0x0;
	s11 =	smov.u32 s1;
	s10 =	sadd.s32 $0x1, s8  }
.LBB2_6:
0x17: {  	[hbm:s17] =	stream.linear.scatter [tilespmem:s14], [sflag:$0x3], $0x400, $0x38;
	[tilespmem:$0xC990] =	vst v63  }
.LBB2_7:
0x18: {  	s13 =	sadd.s32 $0xC8, s11  }
0x19: {  	s15 =	smov.u32 s1;
	p2 =	slt.s32 s13, s3  }
0x1a: {  	s15 =	smov.u32 @p2 s13;
	p2 =	sne.s32 s12, s10  }
.Ltmp1:
0x1b: {  	p1 =	slt.u32 s12, $0x2;
	(pc) =	sbr.rel @!p2 .LBB2_8-.Ltmp1, $4  }
0x1c: {  	s14 =	simm.s32 @!p1 $0x3  }
0x1d: {  	s16 =	sadd.s32 $0x1, s12;
	_ =	swait.ge @!p1 [sflag:s14], $0x6400  }
0x1e: {  	p0 =	por !p0, !p0;
	s13 =	smov.u32 s11;
	[sflag:s14] =	ssyncset.done @!p1 $0x0  }
0x1f: {  	s12 =	smov.u32 s16;
	s11 =	smov.u32 s15;
	[sflag:s14] =	ssyncadd.s32 @!p1 $0xFFFF9C00  }
.LBB2_1:
0x20: {  	p1 =	sge.u32 s12, s8  }
0x21: {  	s14 =	sxor.u32 @!p1 $0xFFFFFFFF, s12  }
0x22: {  	s14 =	sand.u32 @!p1 $0x1, s14  }
0x23: {  	s14 =	smul.u32 @!p1 $0x320, s14  }
0x24: {  	s31 =	sadd.s32 $0xFFFFFFFF, s12;
	s15 =	sshrl.u32 @!p1 s11, $0x3  }
0x25: {  	s16 =	sand.u32 @!p1 $0x7, s11;
	s15 =	sadd.s32 @!p1 s5, s15;
	s14 =	sshrl.u32 @!p1 s14, $0x2  }
0x26: {  	[tilespmem:s14], [sflag:$0x2] =	stream.linear.gather @!p1 [hbm4b:s15+s16], $0xC8, $0x38;
	[tilespmem:$0xC990] =	vst v63  }
0x27: {  	p1 =	sge.u32 s31, s8  }
.Ltmp2:
0x28: {  	_ = 	snop;
	(pc) =	sbr.rel @p1 .LBB2_7-.Ltmp2, $1  }
0x29: {  	_ =	sdelay $0x3  }
0x2a: {  	s14 =	simm.s32 $0x1  }
0x2b: {  	s14 =	simm.s32 @!p0 $0x0  }
0x2c: {  	s15 =	smul.u32 $0x320, s14  }
0x2d: {  	_ =	swait.ge [sflag:s7], $0xC8  }
0x2e: {  	[sflag:s7] =	ssyncset.done $0x0;
	s17 =	sshrl.u32 s15, $0x2  }
0x2f: {  	[sflag:s7] =	ssyncadd.s32 $0xFFFFFF38;
	s15 =	sadd.s32 $0x0, s17  }
0x30: {  	v0 =	vld.msk [tilespmem:s15+$0x0 ss:$0x1], $0xffff;
	_ =	sdelay $0x4  }
0x31: {  	v1 =	vand.u32 $0x7, v0;
	v2 =	vshll.u32 v0, $0x4  }
0x32: {  	vm2 =	veq.s32 v0, $0x80000000;
	v0 =	vmul.u32 $0xA0000, v1;
	v1 =	vand.u32 $0xFFF80, v2  }
0x33: {  	v1 =	vsel vm2, $0xFFFFFF80, v1  }
0x34: {  	v0 =	vsel vm2, $0xFFF60000, v0;
	v2 =	vand.u32 $0xFFFFFC00, v1  }
0x35: {  	v1 =	vand.u32 $0x380, v1;
	v0 =	vadd.s32 v0, v2  }
0x36: {  	v0 =	vor.u32 v1, v0  }
0x37: {  	v0 =	vshrl.u32 v0, $0x3  }
0x38: {  	s14 =	smul.u32 $0x19000, s14  }
0x39: {  	s31 =	sand.u32 $0x1, s12  }
0x3a: {  	s16 =	smul.u32 $0x320, s31;
	s14 =	sshrl.u32 s14, $0x2  }
0x3b: {  	s19 =	smul.u32 $0x19000, s31;
	s14 =	sor.u32 $0x190, s14  }
0x3c: {  	[tilespmem:s14], [sflag:$0x1] =	stream.indirect_vreg.gather [hbm:s4], $0x80, v0, vm0, $0x38;
	[tilespmem:$0xC990] =	vst v63  }
0x3d: {  	s18 =	sshrl.u32 s16, $0x2;
	s20 =	sadd.s32 $0x10, s17;
	s15 =	sadd.s32 $0x400, s14  }
0x3e: {  	[tilespmem:s15], [sflag:$0x1] =	stream.indirect_vreg.gather [hbm:s4], $0x80, v0, vm1, $0x38;
	[tilespmem:$0xC990] =	vst v63  }
0x3f: {  	s16 =	sshrl.u32 s19, $0x2;
	s19 =	smov.u32 s14;
	v0 =	vld.msk [tilespmem:s20+$0x0 ss:$0x1], $0xffff;
	s20 =	simm.s32 $0x80  }
.LBB2_3:
0x40: {  	p1 =	sne.s32 s20, $0x2C0;
	_ =	sdelay $0x4  }
0x41: {  	v1 =	vand.u32 $0x7, v0;
	v2 =	vshll.u32 v0, $0x4  }
0x42: {  	vm2 =	veq.s32 v0, $0x80000000;
	v0 =	vmul.u32 $0xA0000, v1;
	v1 =	vand.u32 $0xFFF80, v2  }
0x43: {  	v1 =	vsel vm2, $0xFFFFFF80, v1  }
0x44: {  	v0 =	vsel vm2, $0xFFF60000, v0;
	v2 =	vand.u32 $0xFFFFFC00, v1  }
0x45: {  	v1 =	vand.u32 $0x380, v1;
	v0 =	vadd.s32 v0, v2  }
0x46: {  	v0 =	vor.u32 v1, v0  }
0x47: {  	v0 =	vshrl.u32 v0, $0x3;
	_ =	sdelay $0x3  }
.Ltmp3:
0x48: {  	s21 =	sshra.s32 s20, $0x2;
	s19 =	sadd.s32 $0x800, s19;
	(pc) =	sbr.rel @p1 .LBB2_3-.Ltmp3, $4  }
0x49: {  	[tilespmem:s19], [sflag:$0x1] =	stream.indirect_vreg.gather [hbm:s4], $0x80, v0, vm0, $0x38;
	[tilespmem:$0xC990] =	vst v63  }
0x4a: {  	s21 =	sadd.s32 s21, s17;
	s22 =	sadd.s32 $0x400, s19  }
0x4b: {  	[tilespmem:s22], [sflag:$0x1] =	stream.indirect_vreg.gather [hbm:s4], $0x80, v0, vm1, $0x38;
	[tilespmem:$0xC990] =	vst v63  }
0x4c: {  	s20 =	sadd.s32 $0x40, s20;
	v0 =	vld.msk [tilespmem:s21+$0x0 ss:$0x1], $0xffff  }
0x4d: {  	_ =	sdelay $0x3  }
0x4e: {  	v1 =	vand.u32 $0x7, v0;
	v2 =	vshll.u32 v0, $0x4  }
0x4f: {  	vm2 =	veq.s32 v0, $0x80000000;
	v56 =	vmul.u32 $0xA0000, v1;
	v57 =	vand.u32 $0xFFF80, v2  }
0x50: {  	v1 =	vsel vm2, $0xFFFFFF80, v57  }
0x51: {  	v0 =	vsel vm2, $0xFFF60000, v56;
	v58 =	vand.u32 $0xFFFFFC00, v1  }
0x52: {  	v1 =	vand.u32 $0x380, v1;
	v0 =	vadd.s32 v0, v58  }
0x53: {  	v0 =	vor.u32 v1, v0  }
0x54: {  	v0 =	vshrl.u32 v0, $0x3;
	_ =	sdelay $0x3  }
0x55: {  	s17 =	sadd.s32 $0x800, s19  }
0x56: {  	[tilespmem:s17], [sflag:$0x1] =	stream.indirect_vreg.gather [hbm:s4], $0x80, v0, vm0, $0x38;
	[tilespmem:$0xC990] =	vst v63  }
0x57: {  	s17 =	sadd.s32 $0x400, s17  }
0x58: {  	[tilespmem:s17], [sflag:$0x1] =	stream.indirect_vreg.gather [hbm:s4], $0x80, v0, vm1, $0x38;
	[tilespmem:$0xC990] =	vst v63  }
0x59: {  	v0 =	vld.msk [tilespmem:s18+$0xC0 ss:$0x1], $0xff;
	_ =	sdelay $0x4  }
0x5a: {  	v59 =	vand.u32 $0x7, v0;
	v60 =	vshll.u32 v0, $0x4  }
0x5b: {  	vm2 =	veq.s32 v0, $0x80000000;
	v61 =	vmul.u32 $0xA0000, v59;
	v62 =	vand.u32 $0xFFF80, v60  }
0x5c: {  	v1 =	vsel vm2, $0xFFFFFF80, v62  }
0x5d: {  	v0 =	vsel vm2, $0xFFF60000, v61;
	v63 =	vand.u32 $0xFFFFFC00, v1  }
0x5e: {  	v1 =	vand.u32 $0x380, v1;
	v0 =	vadd.s32 v0, v63  }
0x5f: {  	v0 =	vor.u32 v1, v0  }
0x60: {  	v0 =	vshrl.u32 v0, $0x3;
	_ =	sdelay $0x3  }
0x61: {  	s16 =	sadd.s32 $0x6190, s16  }
0x62: {  	[tilespmem:s16], [sflag:$0x1] =	stream.indirect_vreg.gather [hbm:s4], $0x80, v0, vm0, $0x38;
	[tilespmem:$0xC990] =	vst v63  }
0x63: {  	s13 =	sshll.u32 s13, $0x4;
	_ =	swait.ge [sflag:s6], $0x6400  }
0x64: {  	s13 =	sadd.s32 s13, s9;
	[sflag:s6] =	ssyncset.done $0x0  }
0x65: {  	s17 =	sadd.s32 $0x0, s13;
	s16 =	simm.s32 $0x80;
	[sflag:s6] =	ssyncadd.s32 $0xFFFF9C00  }
.LBB2_5:
0x66: {  	[hbm:s17] =	stream.linear.scatter [tilespmem:s14], [sflag:$0x3], $0x400, $0x38;
	[tilespmem:$0xC990] =	vst v63  }
0x67: {  	s17 =	smov.u32 s16;
	s14 =	smov.u32 s15;
	p1 =	sne.s32 s16, $0xC00  }
.Ltmp4:
0x68: {  	s16 =	sadd.s32 $0x80, s16;
	(pc) =	sbr.rel @p1 .LBB2_5-.Ltmp4, $2  }
0x69: {  	_ =	sdelay $0x2  }
0x6a: {  	s15 =	sadd.s32 $0x400, s15;
	s17 =	sadd.s32 s17, s13  }
.Ltmp5:
0x6b: {  	_ = 	snop;
	(pc) =	sbr.rel .LBB2_6-.Ltmp5, $1  }
0x6c: {  	_ =	sdelay $0x3  }
.LBB2_8:
0x6d: {  	_ =	sfence.sel $0x180000  }
0x6e: {  	s1 =	simm.s32 $0x2;
	[bflag:$0x0] =	sbarrier.arrive $0xFFFF  }
0x6f: {  	s30 =	simm.s32 $0x3;
	[sflag:s1] =	ssyncpa.u1 $0x1  }
0x70: {  	s31 =	simm.s32 $0x1;
	[sflag:s30] =	ssyncpa.u1 $0x1  }
0x71: {  	[sflag:s31] =	ssyncpa.u1 $0x1  }
0x72: {  	p0 =	sne.s32 s0, $0x0;
	_ =	strace $0x9000004A  }
0x73: {  	s0 =	sadd.s32 @!p0 $0x100000, s2;
	[bflag:$0x2] =	sbarrier.arrive $0xFFFF  }
0x74: {  	[sflag:s0] =	ssyncadd.tile.s32 @!p0 $0x1;
	_ =	shalt  }
.Lfunc_end2:
_tile_overlayer_lowered:
.L_overlay_start_2:
0x75: {  	(tag) =	ssettag $0x2  }
0x76: {  	s0 =	rddreg [dreg:$0x0];
	s2 =	stileid.u32  }
0x77: {  	s1 =	rddreg [dreg:$0x1];
	p0 =	sne.s32 s2, $0x0  }
0x78: {  	s3 =	rddreg [dreg:$0x2];
	[bflag:$0x3] =	sbarrier.arrive $0xFFFF;
	s2 =	simm.s32 @!p0 $0x1C01  }
0x79: {  	[timem:s3], [sflag:s2] =	dma.local @!p0 [hbm:s0], s1  }
0x7a: {  	s0 =	simm.s32 @!p0 $0x1  }
0x7b: {  	_ =	swait.ge @!p0 [sflag:s0], s1  }
0x7c: {  	s1 =	ssub.s32 @!p0 $0x0, s1;
	[sflag:s0] =	ssyncset.done @!p0 $0x0  }
0x7d: {  	[sflag:s0] =	ssyncadd.s32 @!p0 s1  }
0x7e: {  	[bflag:$0x3] =	sbarrier.arrive $0xFFFF  }
0x7f: {  	_ =	shalt  }

// kernel: gather_offload_async_start
scs
__scs_entry_jumppad:
0x0: {  	(pc) =	sbr.rel $0x88, $3  }
0x1: {  	(tag) =	ssettag $0x0;
	lr =	simm.s32 $0x1  }
0x2: {  	[smem:$0x3F9F] =	sst lr;
	_ =	strace $0xD0000000  }
0x3: {  	_ = 	snop  }
0x4: {  	_ = 	snop  }
0x5: {  	_ = 	snop  }
0x6: {  	_ = 	snop  }
0x7: {  	_ = 	snop  }
__scs_overlays_trampoline_lowered:
0x8: {  	[smem:$0x3FAE] =	sst s0  }
0x9: {  	[smem:$0x3FAF] =	sst s1  }
0xa: {  	[smem:$0x3FB0] =	sst s2  }
0xb: {  	[smem:$0x3FB1] =	sst s3  }
0xc: {  	[smem:$0x3FB2] =	sst s4  }
0xd: {  	[smem:$0x3FB3] =	sst s5  }
0xe: {  	[smem:$0x3FB4] =	sst s6  }
0xf: {  	[smem:$0x3FB5] =	sst s7  }
0x10: {  	[smem:$0x3FB6] =	sst s8  }
0x11: {  	[smem:$0x3FB7] =	sst s9;
	s0 =	simm.s32 @!p0 $0x0  }
0x12: {  	s1 =	sld [smem:$0x3F9D];
	s0 =	simm.s32 @p0 $0x1  }
0x13: {  	[smem:$0x3FB8] =	sst s0;
	s0 =	simm.s32 @!p1 $0x0  }
0x14: {  	s2 =	sld [smem:$0x3F9C];
	s0 =	simm.s32 @p1 $0x1  }
0x15: {  	[smem:$0x3FB9] =	sst s0;
	s0 =	simm.s32 @!p2 $0x0  }
0x16: {  	s3 =	sld [smem:$0x3FDB];
	s0 =	simm.s32 @p2 $0x1  }
0x17: {  	s4 =	simm.s32 $0x1BF5;
	[smem:$0x3FBB] =	sst s0  }
0x18: {  	s0 =	sld [smem:$0x3F9E];
	_ =	swait.ge [sflag:s4], $0x0  }
0x19: {  	s7 =	sld [smem:$0x3F9F]  }
0x1a: {  	s8 =	sadd.s32 $0xFFFFE003, lr  }
0x1b: {  	s9 =	sadd.s32 $0xFFFFFEF7, lr;
	s5 =	simm.s32 $0xFFFFFFFF;
	p2 =	slt.u32 s8, $0xFFFFF086  }
0x1c: {  	p1 =	slt.u32 s9, $0xF7A;
	s5 =	simm.s32 @!p2 $0x0  }
0x1d: {  	s5 =	simm.s32 @p1 $0x1;
	p0 =	seq.s32 s7, s2  }
0x1e: {  	s7 =	smul.u32 @!p0 $0xF7A, s2;
	p2 =	seq.s32 @!p0 s5, $0x0  }
0x1f: {  	s9 =	smul.u32 $0xF7A, s1;
	s8 =	simm.s32 @!p0 $0x1BF5;
	p2 =	por !p2, p0  }
0x20: {  	[sflag:s8] =	ssyncset.s32 @!p0 $0xFFFFF086;
	s6 =	sadd.s32 @!p0 s3, s7;
	s7 =	simm.s32 @!p0 $0x108  }
0x21: {  	s3 =	sadd.s32 s3, s9;
	s6 =	sadd.s32 @!p0 $0x88, s6;
	s7 =	simm.s32 @p2 $0x1082  }
0x22: {  	[simem:s7], [sflag:s8] =	dma.local @!p0 [hbm:s6], $0xF7A  }
0x23: {  	s9 =	sor.u32 $0xD0000000, s2;
	s6 =	simm.s32 $0x108;
	_ =	swait.ge @!p0 [sflag:s8], $0x0  }
0x24: {  	s3 =	sadd.s32 $0x88, s3;
	s6 =	simm.s32 @!p1 $0x1082;
	[sflag:s4] =	ssyncset.s32 $0xFFFFF086  }
0x25: {  	[simem:s6], [sflag:s4] =	dma.local [hbm:s3], $0xF7A  }
0x26: {  	[smem:$0x3F9F] =	sst s1;
	(tag) =	ssettag s2;
	_ =	strace s9  }
0x27: {  	s1 =	sld [smem:$0x3FAF]  }
0x28: {  	s2 =	sld [smem:$0x3FB0]  }
0x29: {  	s4 =	sld [smem:$0x3FB2]  }
0x2a: {  	p0 =	seq.s32 s5, $0x0;
	s5 =	sld [smem:$0x3FB3]  }
0x2b: {  	s6 =	sld [smem:$0x3FB4]  }
0x2c: {  	s7 =	sld [smem:$0x3FB5]  }
0x2d: {  	s3 =	simm.s32 $0x108;
	s8 =	sld [smem:$0x3FB6]  }
0x2e: {  	s3 =	simm.s32 @!p0 $0x1082;
	s9 =	sld [smem:$0x3FB7]  }
0x2f: {  	lr =	sadd.s32 s0, s3;
	s0 =	sld [smem:$0x3FAE]  }
0x30: {  	s3 =	sld [smem:$0x3FB1]  }
0x31: {  	[smem:$0x3FBA] =	sst s10  }
0x32: {  	s10 =	sld [smem:$0x3FB8];
	_ =	sdelay $0x3  }
0x33: {  	p0 =	seq.s32 s10, $0x1;
	s10 =	sld [smem:$0x3FBA];
	_ =	sdelay $0x3  }
0x34: {  	[smem:$0x3FBA] =	sst s10  }
0x35: {  	s10 =	sld [smem:$0x3FB9];
	_ =	sdelay $0x3  }
0x36: {  	p1 =	seq.s32 s10, $0x1;
	s10 =	sld [smem:$0x3FBA];
	_ =	sdelay $0x3  }
0x37: {  	[smem:$0x3FBA] =	sst s10  }
0x38: {  	s10 =	sld [smem:$0x3FBB]  }
0x39: {  	_ = 	snop;
	(pc) =	sbr.ind lr, $3  }
0x3a: {  	_ = 	snop  }
0x3b: {  	_ = 	snop  }
0x3c: {  	p2 =	seq.s32 s10, $0x1;
	s10 =	sld [smem:$0x3FBA]  }
0x3d: {  	_ =	shalt  }
0x3e: {  	_ =	shalt  }
0x3f: {  	_ =	shalt  }
0x40: {  	_ =	shalt  }
0x41: {  	_ =	shalt  }
0x42: {  	_ =	shalt  }
0x43: {  	_ =	shalt  }
0x44: {  	_ =	shalt  }
0x45: {  	_ =	shalt  }
0x46: {  	_ =	shalt  }
0x47: {  	_ =	shalt  }
0x48: {  	_ =	shalt  }
0x49: {  	_ =	shalt  }
0x4a: {  	_ =	shalt  }
0x4b: {  	_ =	shalt  }
0x4c: {  	_ =	shalt  }
0x4d: {  	_ =	shalt  }
0x4e: {  	_ =	shalt  }
0x4f: {  	_ =	shalt  }
0x50: {  	_ =	shalt  }
0x51: {  	_ =	shalt  }
0x52: {  	_ =	shalt  }
0x53: {  	_ =	shalt  }
0x54: {  	_ =	shalt  }
0x55: {  	_ =	shalt  }
0x56: {  	_ =	shalt  }
0x57: {  	_ =	shalt  }
0x58: {  	_ =	shalt  }
0x59: {  	_ =	shalt  }
0x5a: {  	_ =	shalt  }
0x5b: {  	_ =	shalt  }
0x5c: {  	_ =	shalt  }
0x5d: {  	_ =	shalt  }
0x5e: {  	_ =	shalt  }
0x5f: {  	_ =	shalt  }
0x60: {  	_ =	shalt  }
0x61: {  	_ =	shalt  }
0x62: {  	_ =	shalt  }
0x63: {  	_ =	shalt  }
0x64: {  	_ =	shalt  }
0x65: {  	_ =	shalt  }
0x66: {  	_ =	shalt  }
0x67: {  	_ =	shalt  }
0x68: {  	_ =	shalt  }
0x69: {  	_ =	shalt  }
0x6a: {  	_ =	shalt  }
0x6b: {  	_ =	shalt  }
0x6c: {  	_ =	shalt  }
0x6d: {  	_ =	shalt  }
0x6e: {  	_ =	shalt  }
0x6f: {  	_ =	shalt  }
0x70: {  	_ =	shalt  }
0x71: {  	_ =	shalt  }
0x72: {  	_ =	shalt  }
0x73: {  	_ =	shalt  }
0x74: {  	_ =	shalt  }
0x75: {  	_ =	shalt  }
0x76: {  	_ =	shalt  }
0x77: {  	_ =	shalt  }
0x78: {  	_ =	shalt  }
0x79: {  	_ =	shalt  }
0x7a: {  	_ =	shalt  }
0x7b: {  	_ =	shalt  }
0x7c: {  	_ =	shalt  }
0x7d: {  	_ =	shalt  }
0x7e: {  	_ =	shalt  }
0x7f: {  	_ =	shalt  }
0x80: {  	_ =	shalt  }
0x81: {  	_ =	shalt  }
0x82: {  	_ =	shalt  }
0x83: {  	_ =	shalt  }
0x84: {  	_ =	shalt  }
0x85: {  	_ =	shalt  }
0x86: {  	_ =	shalt  }
0x87: {  	_ =	shalt  }
.Lfunc_end0:
.L_simem_size_0:
called_computation_lowered:
.L_overlay_start_0:
0x88: {  	s0 =	sld [smem:$0x3FD9]  }
0x89: {  	s1 =	sld [smem:$0x3FFE];
	_ =	sdelay $0x3  }
0x8a: {  	s0 =	sadd.s32 s1, s0  }
0x8b: {  	[smem:$0x3FC6] =	sst s0  }
0x8c: {  	_ = 	snop  }
0x8d: {  	(tm) =	ssettm $0x1  }
0x8e: {  	s15 =	sld [smem:$0x3FFB];
	_ =	sdelay $0x3  }
0x8f: {  	_ =	strace s15  }
0x90: {  	s0 =	sld [smem:$0x3FFC];
	_ =	sdelay $0x3  }
0x91: {  	_ =	strace s0  }
0x92: {  	s0 =	sld [smem:$0x3FFD];
	_ =	sdelay $0x3  }
0x93: {  	_ =	strace s0  }
0x94: {  	_ =	strace $0x8FFFFFFF  }
0x95: {  	s16 =	sld [smem:$0x3FDB];
	_ =	sdelay $0x1  }
0x96: {  	s17 =	simm.s32 $_scs_section_size  }
0x97: {  	s2 =	simm.s32 $_size__tile_overlayer_lowered;
	s3 =	simm.s32 $_tile_overlayer_lowered  }
0x98: {  	s20 =	simm.s32 $0x1BFF;
	s19 =	sshll.u32 s3, $0x1;
	s0 =	sadd.s32 s17, s16  }
0x99: {  	s4 =	simm.s32 $0x0;
	s18 =	sshll.u32 s2, $0x1;
	s2 =	sadd.s32 s19, s0  }
0x9a: {  	[timem:s4], [sflag:s20] =	dma.local [hbm:s2], s18  }
0x9b: {  	_ =	swait.ge [sflag:s20], s18  }
0x9c: {  	s1 =	ssub.s32 $0x0, s18;
	[sflag:s20] =	ssyncset.done $0x0  }
0x9d: {  	[sflag:s20] =	ssyncadd.s32 s1;
	_ =	sdelay $0x1  }
0x9e: {  	s21 =	simm.s32 $0x1B8B  }
0x9f: {  	_ =	swait.ge [sflag:s21], $0x1  }
0xa0: {  	[sflag:s21] =	ssyncset.done $0x0  }
0xa1: {  	s23 =	simm.s32 $0x1B8E;
	s22 =	sld [smem:$0x3FFE];
	[sflag:s21] =	ssyncadd.s32 $0xFFFFFFFF  }
0xa2: {  	s24 =	simm.s32 $execute0_lowered;
	[smem:$0x3FD2] =	sst s23  }
0xa3: {  	s2 =	sshll.u32 s24, $0x1;
	_ =	strace $0x80000046;
	[dreg:$0x1] =	wrdreg $0xFFFFFFFF  }
0xa4: {  	s25 =	simm.s32 $_size_execute0_lowered;
	s0 =	sadd.s32 s0, s2;
	[dreg:$0x0] =	wrdreg $0x0  }
0xa5: {  	s2 =	sshll.u32 s25, $0x1;
	[dreg:$0x2] =	wrdreg s0  }
0xa6: {  	[dreg:$0x3] =	wrdreg s2  }
0xa7: {  	[dreg:$0x4] =	wrdreg $0xC0  }
0xa8: {  	_ =	task [dreg:s4], $0x5FFFF  }
0xa9: {  	[dreg:$0x1] =	wrdreg $0xFFFFFFFF  }
0xaa: {  	[dreg:$0x0] =	wrdreg $0x60  }
0xab: {  	[dreg:$0x2] =	wrdreg s22  }
0xac: {  	[dreg:$0x3] =	wrdreg $0x9  }
0xad: {  	_ =	task.clear_ibuf [dreg:s4], $0x4FFFF;
	_ =	strace $0x90000046  }
0xae: {  	s26 =	simm.s32 $0x9;
	_ =	strace $0x80000048  }
0xaf: {  	_ =	swait.ge [sflag:s26], $0x1  }
0xb0: {  	[sflag:s26] =	ssyncadd.s32 $0xFFFFFFFF  }
0xb1: {  	_ =	strace $0x90000048  }
0xb2: {  	_ =	sfence  }
0xb3: {  	s28 =	sld [smem:$0x0];
	_ =	sdelay $0x1  }
0xb4: {  	s29 =	srdreg.scid  }
0xb5: {  	s30 =	sshll.u32 s29, $0xD;
	s31 =	sshrl.u32 s29, $0x2  }
0xb6: {  	s1 =	sand.u32 $0x1, s29;
	s2 =	sand.u32 $0x4000, s30;
	s0 =	sadd.s32 s31, s28  }
0xb7: {  	s1 =	sor.u32 s2, s1;
	s0 =	sshll.u32 s0, $0x11  }
0xb8: {  	s0 =	sor.u32 s0, s1  }
0xb9: {  	s0 =	sadd.s32 $0x8F2B, s0  }
0xba: {  	[sflag:s0] =	ssyncadd.remote.s32 $0x1  }
0xbb: {  	_ =	sfence.sel $0xFFFF  }
0xbc: {  	[dreg:$0x0] =	wrdreg $0xFFFFFFFF;
	(pc) =	sbr.abs _section_cstart, $3  }
0xbd: {  	[dreg:$0x1] =	wrdreg $0xFFFFFFFF  }
0xbe: {  	_ =	task.clear_ibuf [dreg:s4], $0x2FFFF;
	_ =	strace $0x9FFFFFFF  }
0xbf: {  	(tm) =	ssettm $0x7FFFFFFF  }
tec
execute0_lowered:
.L_overlay_start_1:
0x0: {  	(tag) =	ssettag $0x1  }
0x1: {  	s2 =	rddreg [dreg:$0x0]  }
0x2: {  	s0 =	rddreg [dreg:$0x1];
	s1 =	stileid.u32;
	_ =	strace $0x80000047  }
0x3: {  	s6 =	simm.s32 $0x1;
	s8 =	simm.s32 $0x2;
	s30 =	simm.s32 $0x3  }
0x4: {  	s12 =	simm.s32 $0x0;
	s9 =	simm.s32 $0x0;
	s4 =	sshll.u32 s1, $0x4  }
0x5: {  	s10 =	simm.s32 $0x0;
	s3 =	sadd.s32 $0x2800, s2;
	s7 =	ssub.s32 $0x61A0, s4  }
0x6: {  	s5 =	sadd.s32 $0x5800, s2;
	[sflag:s6] =	ssyncpa.u1 $0x0;
	s6 =	sshrl.u32 s7, $0x8  }
0x7: {  	[sflag:s8] =	ssyncpa.u1 $0x0;
	s11 =	smov.u32 s4;
	s31 =	sshll.u32 s6, $0x4  }
0x8: {  	[sflag:s30] =	ssyncpa.u1 $0x0;
	s7 =	sor.u32 $0x2, s6;
	s8 =	sadd.s32 $0x30, s31  }
.LBB2_1:
0x9: {  	p0 =	sgt.u32 s10, s6  }
0xa: {  	s13 =	sxor.u32 @!p0 $0xFFFFFFFF, s9;
	s14 =	sshrl.u32 @!p0 s11, $0x3  }
0xb: {  	s15 =	sand.u32 @!p0 $0x7, s11;
	s13 =	sand.u32 @!p0 $0x10, s13;
	s14 =	sadd.s32 @!p0 s3, s14  }
0xc: {  	[tilespmem:s13], [sflag:$0x2] =	stream.linear.gather @!p0 [hbm4b:s14+s15], $0x10, $0x38;
	[tilespmem:$0x40] =	vst v63  }
0xd: {  	p0 =	seq.s32 s9, $0x0  }
0xe: {  	p1 =	sge.u32 @!p0 s10, s7  }
0xf: {  	p0 =	por p1, p0  }
0x10: {  	s13 =	simm.s32 @!p0 $0x2  }
0x11: {  	_ =	swait.ge @!p0 [sflag:s13], $0x10  }
0x12: {  	[sflag:s13] =	ssyncset.done @!p0 $0x0  }
0x13: {  	[sflag:s13] =	ssyncadd.s32 @!p0 $0xFFFFFFF0;
	s13 =	sand.u32 @!p0 $0x10, s9  }
0x14: {  	(ifvalue) =	ssetifvalue @!p0 $0x7FFFFFFF;
	v0 =	vld.msk @!p0 [tilespmem:s13+$0x0 ss:$0x1], $0xffff;
	_ =	sdelay $0x4  }
0x15: {  	vm0 =	veq.s32 @!p0 v0, $0x80000000;
	v1 =	vand.u32 @!p0 $0x7, v0;
	v0 =	vshrl.u32 @!p0 v0, $0x3  }
0x16: {  	v1 =	vsel @!p0 vm0, $0xFFFFFFFF, v1;
	v0 =	vand.u32 @!p0 $0x1FFF, v0  }
0x17: {  	v0 =	vsel @!p0 vm0, $0xFFFFFFFF, v0;
	v2 =	vshrl.u32 @!p0 v1, $0x3  }
0x18: {  	v2 =	vmul.u32 @!p0 $0xA000, v2;
	v3 =	vshll.u32 @!p0 v0, $0x3  }
0x19: {  	v1 =	vshll.u32 @!p0 v1, $0x7;
	v3 =	vand.u32 @!p0 $0xFFFFFC00, v3  }
0x1a: {  	v1 =	vand.u32 @!p0 $0x380, v1;
	v2 =	vadd.s32 @!p0 v2, v3  }
0x1b: {  	v0 =	vand.u32 @!p0 $0x7F, v0;
	v1 =	vor.u32 @!p0 v1, v2  }
0x1c: {  	v0 =	vor.u32 @!p0 v0, v1;
	_ =	sdelay $0x3  }
0x1d: {  	s14 =	simm.s32 @!p0 $0x0;
	s13 =	sor.u32 @!p0 $0x20, s13;
	(ifvalue) =	ssetifvalue @!p0 $0x7FFFFFFF;
	vm0 =	vmmov @!p0 $0xffff  }
0x1e: {  	[tilespmem:s13], [sflag:$0x1] =	stream.indirect_vreg.gather @!p0 [hbm4b:s2+s14], $0x1, v0, vm0, $0x4038;
	[tilespmem:$0x40] =	vst v63  }
0x1f: {  	s14 =	simm.s32 @!p0 $0x1  }
0x20: {  	_ =	swait.ge @!p0 [sflag:s14], $0x10  }
0x21: {  	s15 =	sshrl.u32 @!p0 s12, $0x3;
	[sflag:s14] =	ssyncset.done @!p0 $0x0  }
0x22: {  	s12 =	sand.u32 @!p0 $0x7, s12;
	[sflag:s14] =	ssyncadd.s32 @!p0 $0xFFFFFFF0;
	s14 =	sadd.s32 @!p0 s5, s15  }
0x23: {  	[hbm4b:s14+s12] =	stream.linear.scatter @!p0 [tilespmem:s13], [sflag:$0x3], $0x10, $0x38;
	[tilespmem:$0x40] =	vst v63  }
0x24: {  	s14 =	sadd.s32 $0x100, s11  }
0x25: {  	s9 =	sadd.s32 $0x10, s9;
	p1 =	sgt.s32 s14, $0x61A7  }
0x26: {  	s14 =	smov.u32 @p1 s4;
	p1 =	sne.s32 s8, s9  }
.Ltmp0:
0x27: {  	p0 =	slt.u32 s10, $0x2;
	(pc) =	sbr.rel @p1 .LBB2_1-.Ltmp0, $4  }
0x28: {  	s13 =	simm.s32 @!p0 $0x3  }
0x29: {  	_ =	swait.ge @!p0 [sflag:s13], $0x10  }
0x2a: {  	s12 =	smov.u32 s11;
	[sflag:s13] =	ssyncset.done @!p0 $0x0  }
0x2b: {  	s10 =	sadd.s32 $0x1, s10;
	s11 =	smov.u32 s14;
	[sflag:s13] =	ssyncadd.s32 @!p0 $0xFFFFFFF0  }
0x2c: {  	_ =	sfence.sel $0x180000  }
0x2d: {  	s2 =	simm.s32 $0x2;
	[bflag:$0x0] =	sbarrier.arrive $0xFFFF  }
0x2e: {  	s30 =	simm.s32 $0x3;
	[sflag:s2] =	ssyncpa.u1 $0x1  }
0x2f: {  	s31 =	simm.s32 $0x1;
	[sflag:s30] =	ssyncpa.u1 $0x1  }
0x30: {  	[sflag:s31] =	ssyncpa.u1 $0x1  }
0x31: {  	p0 =	sne.s32 s1, $0x0;
	_ =	strace $0x90000047  }
0x32: {  	s0 =	sadd.s32 @!p0 $0x100000, s0;
	[bflag:$0x2] =	sbarrier.arrive $0xFFFF  }
0x33: {  	[sflag:s0] =	ssyncadd.tile.s32 @!p0 $0x1;
	_ =	shalt  }
.Lfunc_end2:
_tile_overlayer_lowered:
.L_overlay_start_2:
0x34: {  	(tag) =	ssettag $0x2  }
0x35: {  	s0 =	rddreg [dreg:$0x0];
	s2 =	stileid.u32  }
0x36: {  	s1 =	rddreg [dreg:$0x1];
	p0 =	sne.s32 s2, $0x0  }
0x37: {  	s3 =	rddreg [dreg:$0x2];
	[bflag:$0x3] =	sbarrier.arrive $0xFFFF;
	s2 =	simm.s32 @!p0 $0x1C01  }
0x38: {  	[timem:s3], [sflag:s2] =	dma.local @!p0 [hbm:s0], s1  }
0x39: {  	s0 =	simm.s32 @!p0 $0x1  }
0x3a: {  	_ =	swait.ge @!p0 [sflag:s0], s1  }
0x3b: {  	s1 =	ssub.s32 @!p0 $0x0, s1;
	[sflag:s0] =	ssyncset.done @!p0 $0x0  }
0x3c: {  	[sflag:s0] =	ssyncadd.s32 @!p0 s1  }
0x3d: {  	[bflag:$0x3] =	sbarrier.arrive $0xFFFF  }
0x3e: {  	_ =	shalt  }

</sc_bundles>
